<compile_context>
chip_gen: v7x
topology: tpu7x:2x2x1
jax: 0.10.2.dev20260603
libtpu: 0.0.44.dev20260713+nightly
codegen_flags: <defaults>
</compile_context>

<pallas_src>
import jax
import jax.numpy as jnp
from jax import lax
from jax.experimental import pallas as pl
from jax.experimental.pallas import tpu as pltpu
from jax.experimental.pallas import tpu_sc as plsc

CLASSES = 10199
BATCH = 16384
NC = 2
NS = 16
LANES = 16
NW = NC * NS
COLS_W = BATCH // NW
CHUNKS = COLS_W // LANES
KROWS = 64
NBLK = 159
TAILK = 16
TC0 = NBLK * KROWS + TAILK
BR = 8192


def _sc_body(cap_hbm, out_hbm, idx_v, buf0, buf1, sem0, sem1):
    wid = lax.axis_index("s") * NC + lax.axis_index("c")
    col0 = wid * COLS_W

    pltpu.sync_copy(cap_hbm.at[pl.ds(col0, COLS_W)], idx_v)

    zeros16 = jnp.zeros((LANES,), jnp.float32)
    ones16 = jnp.full((LANES,), 1.0, jnp.float32)
    iota16 = lax.iota(jnp.int32, LANES)

    def _zero(i, _):
        for r in range(KROWS):
            buf0[r, pl.ds(i * LANES, LANES)] = zeros16
            buf1[r, pl.ds(i * LANES, LANES)] = zeros16
        return 0

    lax.fori_loop(0, COLS_W // LANES, _zero, 0)

    def _sweep(buf, b_set, b_clear, set_hi):
        def _chunk(ch, _):
            caps = idx_v[pl.ds(ch * LANES, LANES)]
            cols = ch * LANES + iota16
            rel_s = caps - b_set * KROWS
            plsc.store_scatter(
                buf, [jnp.clip(rel_s, 0, KROWS - 1), cols], ones16,
                mask=(rel_s >= 0) & (rel_s < set_hi),
            )
            rel_c = caps - b_clear * KROWS
            plsc.store_scatter(
                buf, [jnp.clip(rel_c, 0, KROWS - 1), cols], zeros16,
                mask=(rel_c >= 0) & (rel_c < KROWS),
            )
            return 0

        lax.fori_loop(0, CHUNKS, _chunk, 0)

    def _start(buf, sem, b, k):
        pltpu.make_async_copy(
            buf.at[pl.ds(0, k), :],
            out_hbm.at[pl.ds(b * KROWS, k), pl.ds(col0, COLS_W)],
            sem,
        ).start()

    def _wait(buf, sem, b, k):
        pltpu.make_async_copy(
            buf.at[pl.ds(0, k), :],
            out_hbm.at[pl.ds(b * KROWS, k), pl.ds(col0, COLS_W)],
            sem,
        ).wait()

    _sweep(buf0, jnp.int32(0), jnp.int32(-2), KROWS)
    _start(buf0, sem0, 0, KROWS)
    _sweep(buf1, jnp.int32(1), jnp.int32(-1), KROWS)
    _start(buf1, sem1, 1, KROWS)

    def _iter(p, _):
        b = 2 * p
        _wait(buf0, sem0, b - 2, KROWS)
        _sweep(buf0, b, b - 2, KROWS)
        _start(buf0, sem0, b, KROWS)
        _wait(buf1, sem1, b - 1, KROWS)
        _sweep(buf1, b + 1, b - 1, KROWS)
        _start(buf1, sem1, b + 1, KROWS)
        return 0

    lax.fori_loop(1, NBLK // 2, _iter, 0)

    _wait(buf0, sem0, NBLK - 3, KROWS)
    _sweep(buf0, jnp.int32(NBLK - 1), jnp.int32(NBLK - 3), KROWS)
    _start(buf0, sem0, NBLK - 1, KROWS)
    _wait(buf1, sem1, NBLK - 2, KROWS)
    _sweep(buf1, jnp.int32(NBLK), jnp.int32(NBLK - 2), TAILK)
    _start(buf1, sem1, NBLK, TAILK)

    _wait(buf0, sem0, NBLK - 1, KROWS)
    _wait(buf1, sem1, NBLK, TAILK)


def _tc_tail(cap_ref, alias_ref, out_ref):
    del alias_ref
    cap = cap_ref[...]
    classes = TC0 + jax.lax.broadcasted_iota(jnp.int32, (8, BR), 0)
    out_ref[...] = (classes == cap[None, :]).astype(jnp.float32)


def kernel(obj, caption, puzzle):
    cap = caption[0]
    mesh = plsc.VectorSubcoreMesh(
        core_axis_name="c", subcore_axis_name="s", num_cores=NC, num_subcores=NS
    )
    out_t = pl.kernel(
        _sc_body,
        out_type=jax.ShapeDtypeStruct((CLASSES, BATCH), jnp.float32),
        mesh=mesh,
        compiler_params=pltpu.CompilerParams(
            needs_layout_passes=False,
            use_tc_tiling_on_sc=True,
        ),
        scratch_types=[
            pltpu.VMEM((COLS_W,), jnp.int32),
            pltpu.VMEM((KROWS, COLS_W), jnp.float32),
            pltpu.VMEM((KROWS, COLS_W), jnp.float32),
            pltpu.SemaphoreType.DMA,
            pltpu.SemaphoreType.DMA,
        ],
    )(cap)

    out_t = pl.pallas_call(
        _tc_tail,
        grid=(BATCH // BR,),
        in_specs=[
            pl.BlockSpec((BR,), lambda j: (j,)),
            pl.BlockSpec(memory_space=pl.ANY),
        ],
        out_specs=pl.BlockSpec((8, BR), lambda j: (TC0 // 8, j)),
        out_shape=jax.ShapeDtypeStruct((CLASSES, BATCH), jnp.float32),
        input_output_aliases={1: 0},
    )(cap, out_t)
    return out_t.T

# --- scband reference (transcript-rebuilt; emitter-appended) ---
"""Pipeline reference for scband-puzzle-solver-42004780155450 (READ-ONLY COPY).

The authoritative reference and input builder live on the scoring server;
editing this copy changes nothing except your own understanding.
"""

import jax, jax.numpy as jnp
import numpy as np

CLASS_NUM = 10199

def setup_inputs(seed: int = 0) -> dict:
    key = jax.random.key(seed)
    k1, k2, k3 = jax.random.split(key, 3)
    obj = jax.random.normal(k1, (16384, 128), dtype=jnp.float32)
    caption = jax.random.randint(k2, (2, 16384), 0, CLASS_NUM, dtype=jnp.int64 if jax.config.jax_enable_x64 else jnp.int32).astype(jnp.int32)
    puzzle = jax.random.normal(k3, (16384, 128), dtype=jnp.float32)
    return {"obj": obj, "caption": caption, "puzzle": puzzle}

def reference(obj, caption, puzzle):
    # dd = caption[0].unsqueeze(1)
    dd = caption[0][:, None]  # [batch, 1]
    batch_size = dd.shape[0]
    # y_one_hot = zeros(batch, class_num).scatter_(1, dd, 1)
    rows = jnp.arange(batch_size)[:, None]  # [batch, 1]
    y_one_hot = jnp.zeros((batch_size, CLASS_NUM), dtype=jnp.float32).at[rows, dd].set(1.0)
    return y_one_hot

if __name__ == "__main__":
    import jax
    _d = setup_inputs()
    print(jax.jit(kernel)(*tuple(_d.values())))

</pallas_src>

<mosaic_0001>
#map = affine_map<(d0, d1) -> (0)>
#map1 = affine_map<(d0, d1) -> (0, 0)>
module attributes {stable_mosaic.version = 14 : i64} {
  func.func @_sc_body(%arg0: i32, %arg1: i32, %arg2: memref<16384xi32, #tpu.memory_space<hbm>>, %arg3: memref<10199x16384xf32, #tpu.memory_space<hbm>>, %arg4: memref<512xi32, #tpu.memory_space<vmem>>, %arg5: memref<64x512xf32, #tpu.memory_space<vmem>>, %arg6: memref<64x512xf32, #tpu.memory_space<vmem>>, %arg7: memref<!tpu.dma_semaphore, #tpu.memory_space<semaphore_mem>>, %arg8: memref<!tpu.dma_semaphore, #tpu.memory_space<semaphore_mem>>) attributes {dimension_semantics = [#tpu.dimension_semantics<core_parallel>, #tpu.dimension_semantics<subcore_parallel>], iteration_bounds = array<i64: 2, 16>, scalar_prefetch = 0 : i64, scratch_operands = 5 : i64, tpu.core_type = #tpu.core_type<sc_vector_subcore>, window_params = [{transform_indices = #map}, {transform_indices = #map1}]} {
    %mul3A = arith.constant 2 : i32
    %mul3A_0 = arith.muli %arg1, %mul3A : i32
    %add3A = arith.addi %mul3A_0, %arg0 : i32
    %mul3A_1 = arith.constant 512 : i32
    %mul3A_2 = arith.muli %add3A, %mul3A_1 : i32
    "tpu.region"() ({
      %run_scoped3A = tpu.sem_alloc : memref<!tpu.dma_semaphore, #tpu.memory_space<semaphore_mem>>
      %dma_start3A_133 = tpu.memref_slice %arg2[%mul3A_2] : memref<16384xi32, #tpu.memory_space<hbm>> -> memref<512xi32, #tpu.memory_space<hbm>>
      %dma_start3A_134 = tpu.memref_slice %arg2[%mul3A_2] : memref<16384xi32, #tpu.memory_space<hbm>> -> memref<512xi32, #tpu.memory_space<hbm>>
      tpu.enqueue_dma source(%dma_start3A_134 : memref<512xi32, #tpu.memory_space<hbm>>) target(%arg4 : memref<512xi32, #tpu.memory_space<vmem>>) target_semaphore(%run_scoped3A : memref<!tpu.dma_semaphore, #tpu.memory_space<semaphore_mem>>)
      %dma_wait3A_135 = tpu.memref_slice %arg2[%mul3A_2] : memref<16384xi32, #tpu.memory_space<hbm>> -> memref<512xi32, #tpu.memory_space<hbm>>
      %dma_wait3A_136 = tpu.memref_slice %arg2[%mul3A_2] : memref<16384xi32, #tpu.memory_space<hbm>> -> memref<512xi32, #tpu.memory_space<hbm>>
      tpu.wait_dma2 semaphore(%run_scoped3A : memref<!tpu.dma_semaphore, #tpu.memory_space<semaphore_mem>>) src(%dma_wait3A_136 : memref<512xi32, #tpu.memory_space<hbm>>) dst(%arg4 : memref<512xi32, #tpu.memory_space<vmem>>)
      tpu.yield
    }) : () -> ()
    %broadcast_in_dim3A = arith.constant 0.000000e+00 : f32
    %broadcast_in_dim3A_3 = vector.broadcast %broadcast_in_dim3A : f32 to vector<16xf32>
    %broadcast_in_dim3A_4 = arith.constant 1.000000e+00 : f32
    %broadcast_in_dim3A_5 = vector.broadcast %broadcast_in_dim3A_4 : f32 to vector<16xf32>
    %iota3A = tpu.iota {dimensions = array<i32: 0>} : vector<16xi32>
    %scan3A = arith.constant 0 : i32
    %scan3A_6 = arith.constant 0 : i32
    %scan3A_7 = arith.constant 32 : i32
    %scan3A_8 = arith.addi %scan3A_6, %scan3A_7 : i32
    %scan3A_9 = arith.constant 1 : i32
    %scan3A_10 = scf.for %scan3A_133 = %scan3A_6 to %scan3A_8 step %scan3A_9 iter_args(%scan3A_134 = %scan3A) -> (i32)  : i32 {
      %mul3A_135 = arith.constant 16 : i32
      %mul3A_136 = arith.muli %scan3A_133, %mul3A_135 : i32
      %swap3A = arith.constant 0 : i32
      %swap3A_137 = arith.index_cast %swap3A : i32 to index
      %swap3A_138 = arith.index_cast %mul3A_136 : i32 to index
      %swap3A_139 = tpu.vector_load %arg5[%swap3A_137, %swap3A_138] {strides = array<i32>} : memref<64x512xf32, #tpu.memory_space<vmem>>, vector<16xf32>,
      tpu.vector_store %arg5[%swap3A_137, %swap3A_138], %broadcast_in_dim3A_3 {strides = array<i32>} : memref<64x512xf32, #tpu.memory_space<vmem>>, vector<16xf32>,
      %mul3A_140 = arith.constant 16 : i32
      %mul3A_141 = arith.muli %scan3A_133, %mul3A_140 : i32
      %swap3A_142 = arith.constant 0 : i32
      %swap3A_143 = arith.index_cast %swap3A_142 : i32 to index
      %swap3A_144 = arith.index_cast %mul3A_141 : i32 to index
      %swap3A_145 = tpu.vector_load %arg6[%swap3A_143, %swap3A_144] {strides = array<i32>} : memref<64x512xf32, #tpu.memory_space<vmem>>, vector<16xf32>,
      tpu.vector_store %arg6[%swap3A_143, %swap3A_144], %broadcast_in_dim3A_3 {strides = array<i32>} : memref<64x512xf32, #tpu.memory_space<vmem>>, vector<16xf32>,
      %mul3A_146 = arith.constant 16 : i32
      %mul3A_147 = arith.muli %scan3A_133, %mul3A_146 : i32
      %swap3A_148 = arith.constant 1 : i32
      %swap3A_149 = arith.index_cast %swap3A_148 : i32 to index
      %swap3A_150 = arith.index_cast %mul3A_147 : i32 to index
      %swap3A_151 = tpu.vector_load %arg5[%swap3A_149, %swap3A_150] {strides = array<i32>} : memref<64x512xf32, #tpu.memory_space<vmem>>, vector<16xf32>,
      tpu.vector_store %arg5[%swap3A_149, %swap3A_150], %broadcast_in_dim3A_3 {strides = array<i32>} : memref<64x512xf32, #tpu.memory_space<vmem>>, vector<16xf32>,
      %mul3A_152 = arith.constant 16 : i32
      %mul3A_153 = arith.muli %scan3A_133, %mul3A_152 : i32
      %swap3A_154 = arith.constant 1 : i32
      %swap3A_155 = arith.index_cast %swap3A_154 : i32 to index
      %swap3A_156 = arith.index_cast %mul3A_153 : i32 to index
      %swap3A_157 = tpu.vector_load %arg6[%swap3A_155, %swap3A_156] {strides = array<i32>} : memref<64x512xf32, #tpu.memory_space<vmem>>, vector<16xf32>,
      tpu.vector_store %arg6[%swap3A_155, %swap3A_156], %broadcast_in_dim3A_3 {strides = array<i32>} : memref<64x512xf32, #tpu.memory_space<vmem>>, vector<16xf32>,
      %mul3A_158 = arith.constant 16 : i32
      %mul3A_159 = arith.muli %scan3A_133, %mul3A_158 : i32
      %swap3A_160 = arith.constant 2 : i32
      %swap3A_161 = arith.index_cast %swap3A_160 : i32 to index
      %swap3A_162 = arith.index_cast %mul3A_159 : i32 to index
      %swap3A_163 = tpu.vector_load %arg5[%swap3A_161, %swap3A_162] {strides = array<i32>} : memref<64x512xf32, #tpu.memory_space<vmem>>, vector<16xf32>,
      tpu.vector_store %arg5[%swap3A_161, %swap3A_162], %broadcast_in_dim3A_3 {strides = array<i32>} : memref<64x512xf32, #tpu.memory_space<vmem>>, vector<16xf32>,
      %mul3A_164 = arith.constant 16 : i32
      %mul3A_165 = arith.muli %scan3A_133, %mul3A_164 : i32
      %swap3A_166 = arith.constant 2 : i32
      %swap3A_167 = arith.index_cast %swap3A_166 : i32 to index
      %swap3A_168 = arith.index_cast %mul3A_165 : i32 to index
      %swap3A_169 = tpu.vector_load %arg6[%swap3A_167, %swap3A_168] {strides = array<i32>} : memref<64x512xf32, #tpu.memory_space<vmem>>, vector<16xf32>,
      tpu.vector_store %arg6[%swap3A_167, %swap3A_168], %broadcast_in_dim3A_3 {strides = array<i32>} : memref<64x512xf32, #tpu.memory_space<vmem>>, vector<16xf32>,
      %mul3A_170 = arith.constant 16 : i32
      %mul3A_171 = arith.muli %scan3A_133, %mul3A_170 : i32
      %swap3A_172 = arith.constant 3 : i32
      %swap3A_173 = arith.index_cast %swap3A_172 : i32 to index
      %swap3A_174 = arith.index_cast %mul3A_171 : i32 to index
      %swap3A_175 = tpu.vector_load %arg5[%swap3A_173, %swap3A_174] {strides = array<i32>} : memref<64x512xf32, #tpu.memory_space<vmem>>, vector<16xf32>,
      tpu.vector_store %arg5[%swap3A_173, %swap3A_174], %broadcast_in_dim3A_3 {strides = array<i32>} : memref<64x512xf32, #tpu.memory_space<vmem>>, vector<16xf32>,
      %mul3A_176 = arith.constant 16 : i32
      %mul3A_177 = arith.muli %scan3A_133, %mul3A_176 : i32
      %swap3A_178 = arith.constant 3 : i32
      %swap3A_179 = arith.index_cast %swap3A_178 : i32 to index
      %swap3A_180 = arith.index_cast %mul3A_177 : i32 to index
      %swap3A_181 = tpu.vector_load %arg6[%swap3A_179, %swap3A_180] {strides = array<i32>} : memref<64x512xf32, #tpu.memory_space<vmem>>, vector<16xf32>,
      tpu.vector_store %arg6[%swap3A_179, %swap3A_180], %broadcast_in_dim3A_3 {strides = array<i32>} : memref<64x512xf32, #tpu.memory_space<vmem>>, vector<16xf32>,
      %mul3A_182 = arith.constant 16 : i32
      %mul3A_183 = arith.muli %scan3A_133, %mul3A_182 : i32
      %swap3A_184 = arith.constant 4 : i32
      %swap3A_185 = arith.index_cast %swap3A_184 : i32 to index
      %swap3A_186 = arith.index_cast %mul3A_183 : i32 to index
      %swap3A_187 = tpu.vector_load %arg5[%swap3A_185, %swap3A_186] {strides = array<i32>} : memref<64x512xf32, #tpu.memory_space<vmem>>, vector<16xf32>,
      tpu.vector_store %arg5[%swap3A_185, %swap3A_186], %broadcast_in_dim3A_3 {strides = array<i32>} : memref<64x512xf32, #tpu.memory_space<vmem>>, vector<16xf32>,
      %mul3A_188 = arith.constant 16 : i32
      %mul3A_189 = arith.muli %scan3A_133, %mul3A_188 : i32
      %swap3A_190 = arith.constant 4 : i32
      %swap3A_191 = arith.index_cast %swap3A_190 : i32 to index
      %swap3A_192 = arith.index_cast %mul3A_189 : i32 to index
      %swap3A_193 = tpu.vector_load %arg6[%swap3A_191, %swap3A_192] {strides = array<i32>} : memref<64x512xf32, #tpu.memory_space<vmem>>, vector<16xf32>,
      tpu.vector_store %arg6[%swap3A_191, %swap3A_192], %broadcast_in_dim3A_3 {strides = array<i32>} : memref<64x512xf32, #tpu.memory_space<vmem>>, vector<16xf32>,
      %mul3A_194 = arith.constant 16 : i32
      %mul3A_195 = arith.muli %scan3A_133, %mul3A_194 : i32
      %swap3A_196 = arith.constant 5 : i32
      %swap3A_197 = arith.index_cast %swap3A_196 : i32 to index
      %swap3A_198 = arith.index_cast %mul3A_195 : i32 to index
      %swap3A_199 = tpu.vector_load %arg5[%swap3A_197, %swap3A_198] {strides = array<i32>} : memref<64x512xf32, #tpu.memory_space<vmem>>, vector<16xf32>,
      tpu.vector_store %arg5[%swap3A_197, %swap3A_198], %broadcast_in_dim3A_3 {strides = array<i32>} : memref<64x512xf32, #tpu.memory_space<vmem>>, vector<16xf32>,
      %mul3A_200 = arith.constant 16 : i32
      %mul3A_201 = arith.muli %scan3A_133, %mul3A_200 : i32
      %swap3A_202 = arith.constant 5 : i32
      %swap3A_203 = arith.index_cast %swap3A_202 : i32 to index
      %swap3A_204 = arith.index_cast %mul3A_201 : i32 to index
      %swap3A_205 = tpu.vector_load %arg6[%swap3A_203, %swap3A_204] {strides = array<i32>} : memref<64x512xf32, #tpu.memory_space<vmem>>, vector<16xf32>,
      tpu.vector_store %arg6[%swap3A_203, %swap3A_204], %broadcast_in_dim3A_3 {strides = array<i32>} : memref<64x512xf32, #tpu.memory_space<vmem>>, vector<16xf32>,
      %mul3A_206 = arith.constant 16 : i32
      %mul3A_207 = arith.muli %scan3A_133, %mul3A_206 : i32
      %swap3A_208 = arith.constant 6 : i32
      %swap3A_209 = arith.index_cast %swap3A_208 : i32 to index
      %swap3A_210 = arith.index_cast %mul3A_207 : i32 to index
      %swap3A_211 = tpu.vector_load %arg5[%swap3A_209, %swap3A_210] {strides = array<i32>} : memref<64x512xf32, #tpu.memory_space<vmem>>, vector<16xf32>,
      tpu.vector_store %arg5[%swap3A_209, %swap3A_210], %broadcast_in_dim3A_3 {strides = array<i32>} : memref<64x512xf32, #tpu.memory_space<vmem>>, vector<16xf32>,
      %mul3A_212 = arith.constant 16 : i32
      %mul3A_213 = arith.muli %scan3A_133, %mul3A_212 : i32
      %swap3A_214 = arith.constant 6 : i32
      %swap3A_215 = arith.index_cast %swap3A_214 : i32 to index
      %swap3A_216 = arith.index_cast %mul3A_213 : i32 to index
      %swap3A_217 = tpu.vector_load %arg6[%swap3A_215, %swap3A_216] {strides = array<i32>} : memref<64x512xf32, #tpu.memory_space<vmem>>, vector<16xf32>,
      tpu.vector_store %arg6[%swap3A_215, %swap3A_216], %broadcast_in_dim3A_3 {strides = array<i32>} : memref<64x512xf32, #tpu.memory_space<vmem>>, vector<16xf32>,
      %mul3A_218 = arith.constant 16 : i32
      %mul3A_219 = arith.muli %scan3A_133, %mul3A_218 : i32
      %swap3A_220 = arith.constant 7 : i32
      %swap3A_221 = arith.index_cast %swap3A_220 : i32 to index
      %swap3A_222 = arith.index_cast %mul3A_219 : i32 to index
      %swap3A_223 = tpu.vector_load %arg5[%swap3A_221, %swap3A_222] {strides = array<i32>} : memref<64x512xf32, #tpu.memory_space<vmem>>, vector<16xf32>,
      tpu.vector_store %arg5[%swap3A_221, %swap3A_222], %broadcast_in_dim3A_3 {strides = array<i32>} : memref<64x512xf32, #tpu.memory_space<vmem>>, vector<16xf32>,
      %mul3A_224 = arith.constant 16 : i32
      %mul3A_225 = arith.muli %scan3A_133, %mul3A_224 : i32
      %swap3A_226 = arith.constant 7 : i32
      %swap3A_227 = arith.index_cast %swap3A_226 : i32 to index
      %swap3A_228 = arith.index_cast %mul3A_225 : i32 to index
      %swap3A_229 = tpu.vector_load %arg6[%swap3A_227, %swap3A_228] {strides = array<i32>} : memref<64x512xf32, #tpu.memory_space<vmem>>, vector<16xf32>,
      tpu.vector_store %arg6[%swap3A_227, %swap3A_228], %broadcast_in_dim3A_3 {strides = array<i32>} : memref<64x512xf32, #tpu.memory_space<vmem>>, vector<16xf32>,
      %mul3A_230 = arith.constant 16 : i32
      %mul3A_231 = arith.muli %scan3A_133, %mul3A_230 : i32
      %swap3A_232 = arith.constant 8 : i32
      %swap3A_233 = arith.index_cast %swap3A_232 : i32 to index
      %swap3A_234 = arith.index_cast %mul3A_231 : i32 to index
      %swap3A_235 = tpu.vector_load %arg5[%swap3A_233, %swap3A_234] {strides = array<i32>} : memref<64x512xf32, #tpu.memory_space<vmem>>, vector<16xf32>,
      tpu.vector_store %arg5[%swap3A_233, %swap3A_234], %broadcast_in_dim3A_3 {strides = array<i32>} : memref<64x512xf32, #tpu.memory_space<vmem>>, vector<16xf32>,
      %mul3A_236 = arith.constant 16 : i32
      %mul3A_237 = arith.muli %scan3A_133, %mul3A_236 : i32
      %swap3A_238 = arith.constant 8 : i32
      %swap3A_239 = arith.index_cast %swap3A_238 : i32 to index
      %swap3A_240 = arith.index_cast %mul3A_237 : i32 to index
      %swap3A_241 = tpu.vector_load %arg6[%swap3A_239, %swap3A_240] {strides = array<i32>} : memref<64x512xf32, #tpu.memory_space<vmem>>, vector<16xf32>,
      tpu.vector_store %arg6[%swap3A_239, %swap3A_240], %broadcast_in_dim3A_3 {strides = array<i32>} : memref<64x512xf32, #tpu.memory_space<vmem>>, vector<16xf32>,
      %mul3A_242 = arith.constant 16 : i32
      %mul3A_243 = arith.muli %scan3A_133, %mul3A_242 : i32
      %swap3A_244 = arith.constant 9 : i32
      %swap3A_245 = arith.index_cast %swap3A_244 : i32 to index
      %swap3A_246 = arith.index_cast %mul3A_243 : i32 to index
      %swap3A_247 = tpu.vector_load %arg5[%swap3A_245, %swap3A_246] {strides = array<i32>} : memref<64x512xf32, #tpu.memory_space<vmem>>, vector<16xf32>,
      tpu.vector_store %arg5[%swap3A_245, %swap3A_246], %broadcast_in_dim3A_3 {strides = array<i32>} : memref<64x512xf32, #tpu.memory_space<vmem>>, vector<16xf32>,
      %mul3A_248 = arith.constant 16 : i32
      %mul3A_249 = arith.muli %scan3A_133, %mul3A_248 : i32
      %swap3A_250 = arith.constant 9 : i32
      %swap3A_251 = arith.index_cast %swap3A_250 : i32 to index
      %swap3A_252 = arith.index_cast %mul3A_249 : i32 to index
      %swap3A_253 = tpu.vector_load %arg6[%swap3A_251, %swap3A_252] {strides = array<i32>} : memref<64x512xf32, #tpu.memory_space<vmem>>, vector<16xf32>,
      tpu.vector_store %arg6[%swap3A_251, %swap3A_252], %broadcast_in_dim3A_3 {strides = array<i32>} : memref<64x512xf32, #tpu.memory_space<vmem>>, vector<16xf32>,
      %mul3A_254 = arith.constant 16 : i32
      %mul3A_255 = arith.muli %scan3A_133, %mul3A_254 : i32
      %swap3A_256 = arith.constant 10 : i32
      %swap3A_257 = arith.index_cast %swap3A_256 : i32 to index
      %swap3A_258 = arith.index_cast %mul3A_255 : i32 to index
      %swap3A_259 = tpu.vector_load %arg5[%swap3A_257, %swap3A_258] {strides = array<i32>} : memref<64x512xf32, #tpu.memory_space<vmem>>, vector<16xf32>,
      tpu.vector_store %arg5[%swap3A_257, %swap3A_258], %broadcast_in_dim3A_3 {strides = array<i32>} : memref<64x512xf32, #tpu.memory_space<vmem>>, vector<16xf32>,
      %mul3A_260 = arith.constant 16 : i32
      %mul3A_261 = arith.muli %scan3A_133, %mul3A_260 : i32
      %swap3A_262 = arith.constant 10 : i32
      %swap3A_263 = arith.index_cast %swap3A_262 : i32 to index
      %swap3A_264 = arith.index_cast %mul3A_261 : i32 to index
      %swap3A_265 = tpu.vector_load %arg6[%swap3A_263, %swap3A_264] {strides = array<i32>} : memref<64x512xf32, #tpu.memory_space<vmem>>, vector<16xf32>,
      tpu.vector_store %arg6[%swap3A_263, %swap3A_264], %broadcast_in_dim3A_3 {strides = array<i32>} : memref<64x512xf32, #tpu.memory_space<vmem>>, vector<16xf32>,
      %mul3A_266 = arith.constant 16 : i32
      %mul3A_267 = arith.muli %scan3A_133, %mul3A_266 : i32
      %swap3A_268 = arith.constant 11 : i32
      %swap3A_269 = arith.index_cast %swap3A_268 : i32 to index
      %swap3A_270 = arith.index_cast %mul3A_267 : i32 to index
      %swap3A_271 = tpu.vector_load %arg5[%swap3A_269, %swap3A_270] {strides = array<i32>} : memref<64x512xf32, #tpu.memory_space<vmem>>, vector<16xf32>,
      tpu.vector_store %arg5[%swap3A_269, %swap3A_270], %broadcast_in_dim3A_3 {strides = array<i32>} : memref<64x512xf32, #tpu.memory_space<vmem>>, vector<16xf32>,
      %mul3A_272 = arith.constant 16 : i32
      %mul3A_273 = arith.muli %scan3A_133, %mul3A_272 : i32
      %swap3A_274 = arith.constant 11 : i32
      %swap3A_275 = arith.index_cast %swap3A_274 : i32 to index
      %swap3A_276 = arith.index_cast %mul3A_273 : i32 to index
      %swap3A_277 = tpu.vector_load %arg6[%swap3A_275, %swap3A_276] {strides = array<i32>} : memref<64x512xf32, #tpu.memory_space<vmem>>, vector<16xf32>,
      tpu.vector_store %arg6[%swap3A_275, %swap3A_276], %broadcast_in_dim3A_3 {strides = array<i32>} : memref<64x512xf32, #tpu.memory_space<vmem>>, vector<16xf32>,
      %mul3A_278 = arith.constant 16 : i32
      %mul3A_279 = arith.muli %scan3A_133, %mul3A_278 : i32
      %swap3A_280 = arith.constant 12 : i32
      %swap3A_281 = arith.index_cast %swap3A_280 : i32 to index
      %swap3A_282 = arith.index_cast %mul3A_279 : i32 to index
      %swap3A_283 = tpu.vector_load %arg5[%swap3A_281, %swap3A_282] {strides = array<i32>} : memref<64x512xf32, #tpu.memory_space<vmem>>, vector<16xf32>,
      tpu.vector_store %arg5[%swap3A_281, %swap3A_282], %broadcast_in_dim3A_3 {strides = array<i32>} : memref<64x512xf32, #tpu.memory_space<vmem>>, vector<16xf32>,
      %mul3A_284 = arith.constant 16 : i32
      %mul3A_285 = arith.muli %scan3A_133, %mul3A_284 : i32
      %swap3A_286 = arith.constant 12 : i32
      %swap3A_287 = arith.index_cast %swap3A_286 : i32 to index
      %swap3A_288 = arith.index_cast %mul3A_285 : i32 to index
      %swap3A_289 = tpu.vector_load %arg6[%swap3A_287, %swap3A_288] {strides = array<i32>} : memref<64x512xf32, #tpu.memory_space<vmem>>, vector<16xf32>,
      tpu.vector_store %arg6[%swap3A_287, %swap3A_288], %broadcast_in_dim3A_3 {strides = array<i32>} : memref<64x512xf32, #tpu.memory_space<vmem>>, vector<16xf32>,
      %mul3A_290 = arith.constant 16 : i32
      %mul3A_291 = arith.muli %scan3A_133, %mul3A_290 : i32
      %swap3A_292 = arith.constant 13 : i32
      %swap3A_293 = arith.index_cast %swap3A_292 : i32 to index
      %swap3A_294 = arith.index_cast %mul3A_291 : i32 to index
      %swap3A_295 = tpu.vector_load %arg5[%swap3A_293, %swap3A_294] {strides = array<i32>} : memref<64x512xf32, #tpu.memory_space<vmem>>, vector<16xf32>,
      tpu.vector_store %arg5[%swap3A_293, %swap3A_294], %broadcast_in_dim3A_3 {strides = array<i32>} : memref<64x512xf32, #tpu.memory_space<vmem>>, vector<16xf32>,
      %mul3A_296 = arith.constant 16 : i32
      %mul3A_297 = arith.muli %scan3A_133, %mul3A_296 : i32
      %swap3A_298 = arith.constant 13 : i32
      %swap3A_299 = arith.index_cast %swap3A_298 : i32 to index
      %swap3A_300 = arith.index_cast %mul3A_297 : i32 to index
      %swap3A_301 = tpu.vector_load %arg6[%swap3A_299, %swap3A_300] {strides = array<i32>} : memref<64x512xf32, #tpu.memory_space<vmem>>, vector<16xf32>,
      tpu.vector_store %arg6[%swap3A_299, %swap3A_300], %broadcast_in_dim3A_3 {strides = array<i32>} : memref<64x512xf32, #tpu.memory_space<vmem>>, vector<16xf32>,
      %mul3A_302 = arith.constant 16 : i32
      %mul3A_303 = arith.muli %scan3A_133, %mul3A_302 : i32
      %swap3A_304 = arith.constant 14 : i32
      %swap3A_305 = arith.index_cast %swap3A_304 : i32 to index
      %swap3A_306 = arith.index_cast %mul3A_303 : i32 to index
      %swap3A_307 = tpu.vector_load %arg5[%swap3A_305, %swap3A_306] {strides = array<i32>} : memref<64x512xf32, #tpu.memory_space<vmem>>, vector<16xf32>,
      tpu.vector_store %arg5[%swap3A_305, %swap3A_306], %broadcast_in_dim3A_3 {strides = array<i32>} : memref<64x512xf32, #tpu.memory_space<vmem>>, vector<16xf32>,
      %mul3A_308 = arith.constant 16 : i32
      %mul3A_309 = arith.muli %scan3A_133, %mul3A_308 : i32
      %swap3A_310 = arith.constant 14 : i32
      %swap3A_311 = arith.index_cast %swap3A_310 : i32 to index
      %swap3A_312 = arith.index_cast %mul3A_309 : i32 to index
      %swap3A_313 = tpu.vector_load %arg6[%swap3A_311, %swap3A_312] {strides = array<i32>} : memref<64x512xf32, #tpu.memory_space<vmem>>, vector<16xf32>,
      tpu.vector_store %arg6[%swap3A_311, %swap3A_312], %broadcast_in_dim3A_3 {strides = array<i32>} : memref<64x512xf32, #tpu.memory_space<vmem>>, vector<16xf32>,
      %mul3A_314 = arith.constant 16 : i32
      %mul3A_315 = arith.muli %scan3A_133, %mul3A_314 : i32
      %swap3A_316 = arith.constant 15 : i32
      %swap3A_317 = arith.index_cast %swap3A_316 : i32 to index
      %swap3A_318 = arith.index_cast %mul3A_315 : i32 to index
      %swap3A_319 = tpu.vector_load %arg5[%swap3A_317, %swap3A_318] {strides = array<i32>} : memref<64x512xf32, #tpu.memory_space<vmem>>, vector<16xf32>,
      tpu.vector_store %arg5[%swap3A_317, %swap3A_318], %broadcast_in_dim3A_3 {strides = array<i32>} : memref<64x512xf32, #tpu.memory_space<vmem>>, vector<16xf32>,
      %mul3A_320 = arith.constant 16 : i32
      %mul3A_321 = arith.muli %scan3A_133, %mul3A_320 : i32
      %swap3A_322 = arith.constant 15 : i32
      %swap3A_323 = arith.index_cast %swap3A_322 : i32 to index
      %swap3A_324 = arith.index_cast %mul3A_321 : i32 to index
      %swap3A_325 = tpu.vector_load %arg6[%swap3A_323, %swap3A_324] {strides = array<i32>} : memref<64x512xf32, #tpu.memory_space<vmem>>, vector<16xf32>,
      tpu.vector_store %arg6[%swap3A_323, %swap3A_324], %broadcast_in_dim3A_3 {strides = array<i32>} : memref<64x512xf32, #tpu.memory_space<vmem>>, vector<16xf32>,
      %mul3A_326 = arith.constant 16 : i32
      %mul3A_327 = arith.muli %scan3A_133, %mul3A_326 : i32
      %swap3A_328 = arith.constant 16 : i32
      %swap3A_329 = arith.index_cast %swap3A_328 : i32 to index
      %swap3A_330 = arith.index_cast %mul3A_327 : i32 to index
      %swap3A_331 = tpu.vector_load %arg5[%swap3A_329, %swap3A_330] {strides = array<i32>} : memref<64x512xf32, #tpu.memory_space<vmem>>, vector<16xf32>,
      tpu.vector_store %arg5[%swap3A_329, %swap3A_330], %broadcast_in_dim3A_3 {strides = array<i32>} : memref<64x512xf32, #tpu.memory_space<vmem>>, vector<16xf32>,
      %mul3A_332 = arith.constant 16 : i32
      %mul3A_333 = arith.muli %scan3A_133, %mul3A_332 : i32
      %swap3A_334 = arith.constant 16 : i32
      %swap3A_335 = arith.index_cast %swap3A_334 : i32 to index
      %swap3A_336 = arith.index_cast %mul3A_333 : i32 to index
      %swap3A_337 = tpu.vector_load %arg6[%swap3A_335, %swap3A_336] {strides = array<i32>} : memref<64x512xf32, #tpu.memory_space<vmem>>, vector<16xf32>,
      tpu.vector_store %arg6[%swap3A_335, %swap3A_336], %broadcast_in_dim3A_3 {strides = array<i32>} : memref<64x512xf32, #tpu.memory_space<vmem>>, vector<16xf32>,
      %mul3A_338 = arith.constant 16 : i32
      %mul3A_339 = arith.muli %scan3A_133, %mul3A_338 : i32
      %swap3A_340 = arith.constant 17 : i32
      %swap3A_341 = arith.index_cast %swap3A_340 : i32 to index
      %swap3A_342 = arith.index_cast %mul3A_339 : i32 to index
      %swap3A_343 = tpu.vector_load %arg5[%swap3A_341, %swap3A_342] {strides = array<i32>} : memref<64x512xf32, #tpu.memory_space<vmem>>, vector<16xf32>,
      tpu.vector_store %arg5[%swap3A_341, %swap3A_342], %broadcast_in_dim3A_3 {strides = array<i32>} : memref<64x512xf32, #tpu.memory_space<vmem>>, vector<16xf32>,
      %mul3A_344 = arith.constant 16 : i32
      %mul3A_345 = arith.muli %scan3A_133, %mul3A_344 : i32
      %swap3A_346 = arith.constant 17 : i32
      %swap3A_347 = arith.index_cast %swap3A_346 : i32 to index
      %swap3A_348 = arith.index_cast %mul3A_345 : i32 to index
      %swap3A_349 = tpu.vector_load %arg6[%swap3A_347, %swap3A_348] {strides = array<i32>} : memref<64x512xf32, #tpu.memory_space<vmem>>, vector<16xf32>,
      tpu.vector_store %arg6[%swap3A_347, %swap3A_348], %broadcast_in_dim3A_3 {strides = array<i32>} : memref<64x512xf32, #tpu.memory_space<vmem>>, vector<16xf32>,
      %mul3A_350 = arith.constant 16 : i32
      %mul3A_351 = arith.muli %scan3A_133, %mul3A_350 : i32
      %swap3A_352 = arith.constant 18 : i32
      %swap3A_353 = arith.index_cast %swap3A_352 : i32 to index
      %swap3A_354 = arith.index_cast %mul3A_351 : i32 to index
      %swap3A_355 = tpu.vector_load %arg5[%swap3A_353, %swap3A_354] {strides = array<i32>} : memref<64x512xf32, #tpu.memory_space<vmem>>, vector<16xf32>,
      tpu.vector_store %arg5[%swap3A_353, %swap3A_354], %broadcast_in_dim3A_3 {strides = array<i32>} : memref<64x512xf32, #tpu.memory_space<vmem>>, vector<16xf32>,
      %mul3A_356 = arith.constant 16 : i32
      %mul3A_357 = arith.muli %scan3A_133, %mul3A_356 : i32
      %swap3A_358 = arith.constant 18 : i32
      %swap3A_359 = arith.index_cast %swap3A_358 : i32 to index
      %swap3A_360 = arith.index_cast %mul3A_357 : i32 to index
      %swap3A_361 = tpu.vector_load %arg6[%swap3A_359, %swap3A_360] {strides = array<i32>} : memref<64x512xf32, #tpu.memory_space<vmem>>, vector<16xf32>,
      tpu.vector_store %arg6[%swap3A_359, %swap3A_360], %broadcast_in_dim3A_3 {strides = array<i32>} : memref<64x512xf32, #tpu.memory_space<vmem>>, vector<16xf32>,
      %mul3A_362 = arith.constant 16 : i32
      %mul3A_363 = arith.muli %scan3A_133, %mul3A_362 : i32
      %swap3A_364 = arith.constant 19 : i32
      %swap3A_365 = arith.index_cast %swap3A_364 : i32 to index
      %swap3A_366 = arith.index_cast %mul3A_363 : i32 to index
      %swap3A_367 = tpu.vector_load %arg5[%swap3A_365, %swap3A_366] {strides = array<i32>} : memref<64x512xf32, #tpu.memory_space<vmem>>, vector<16xf32>,
      tpu.vector_store %arg5[%swap3A_365, %swap3A_366], %broadcast_in_dim3A_3 {strides = array<i32>} : memref<64x512xf32, #tpu.memory_space<vmem>>, vector<16xf32>,
      %mul3A_368 = arith.constant 16 : i32
      %mul3A_369 = arith.muli %scan3A_133, %mul3A_368 : i32
      %swap3A_370 = arith.constant 19 : i32
      %swap3A_371 = arith.index_cast %swap3A_370 : i32 to index
      %swap3A_372 = arith.index_cast %mul3A_369 : i32 to index
      %swap3A_373 = tpu.vector_load %arg6[%swap3A_371, %swap3A_372] {strides = array<i32>} : memref<64x512xf32, #tpu.memory_space<vmem>>, vector<16xf32>,
      tpu.vector_store %arg6[%swap3A_371, %swap3A_372], %broadcast_in_dim3A_3 {strides = array<i32>} : memref<64x512xf32, #tpu.memory_space<vmem>>, vector<16xf32>,
      %mul3A_374 = arith.constant 16 : i32
      %mul3A_375 = arith.muli %scan3A_133, %mul3A_374 : i32
      %swap3A_376 = arith.constant 20 : i32
      %swap3A_377 = arith.index_cast %swap3A_376 : i32 to index
      %swap3A_378 = arith.index_cast %mul3A_375 : i32 to index
      %swap3A_379 = tpu.vector_load %arg5[%swap3A_377, %swap3A_378] {strides = array<i32>} : memref<64x512xf32, #tpu.memory_space<vmem>>, vector<16xf32>,
      tpu.vector_store %arg5[%swap3A_377, %swap3A_378], %broadcast_in_dim3A_3 {strides = array<i32>} : memref<64x512xf32, #tpu.memory_space<vmem>>, vector<16xf32>,
      %mul3A_380 = arith.constant 16 : i32
      %mul3A_381 = arith.muli %scan3A_133, %mul3A_380 : i32
      %swap3A_382 = arith.constant 20 : i32
      %swap3A_383 = arith.index_cast %swap3A_382 : i32 to index
      %swap3A_384 = arith.index_cast %mul3A_381 : i32 to index
      %swap3A_385 = tpu.vector_load %arg6[%swap3A_383, %swap3A_384] {strides = array<i32>} : memref<64x512xf32, #tpu.memory_space<vmem>>, vector<16xf32>,
      tpu.vector_store %arg6[%swap3A_383, %swap3A_384], %broadcast_in_dim3A_3 {strides = array<i32>} : memref<64x512xf32, #tpu.memory_space<vmem>>, vector<16xf32>,
      %mul3A_386 = arith.constant 16 : i32
      %mul3A_387 = arith.muli %scan3A_133, %mul3A_386 : i32
      %swap3A_388 = arith.constant 21 : i32
      %swap3A_389 = arith.index_cast %swap3A_388 : i32 to index
      %swap3A_390 = arith.index_cast %mul3A_387 : i32 to index
      %swap3A_391 = tpu.vector_load %arg5[%swap3A_389, %swap3A_390] {strides = array<i32>} : memref<64x512xf32, #tpu.memory_space<vmem>>, vector<16xf32>,
      tpu.vector_store %arg5[%swap3A_389, %swap3A_390], %broadcast_in_dim3A_3 {strides = array<i32>} : memref<64x512xf32, #tpu.memory_space<vmem>>, vector<16xf32>,
      %mul3A_392 = arith.constant 16 : i32
      %mul3A_393 = arith.muli %scan3A_133, %mul3A_392 : i32
      %swap3A_394 = arith.constant 21 : i32
      %swap3A_395 = arith.index_cast %swap3A_394 : i32 to index
      %swap3A_396 = arith.index_cast %mul3A_393 : i32 to index
      %swap3A_397 = tpu.vector_load %arg6[%swap3A_395, %swap3A_396] {strides = array<i32>} : memref<64x512xf32, #tpu.memory_space<vmem>>, vector<16xf32>,
      tpu.vector_store %arg6[%swap3A_395, %swap3A_396], %broadcast_in_dim3A_3 {strides = array<i32>} : memref<64x512xf32, #tpu.memory_space<vmem>>, vector<16xf32>,
      %mul3A_398 = arith.constant 16 : i32
      %mul3A_399 = arith.muli %scan3A_133, %mul3A_398 : i32
      %swap3A_400 = arith.constant 22 : i32
      %swap3A_401 = arith.index_cast %swap3A_400 : i32 to index
      %swap3A_402 = arith.index_cast %mul3A_399 : i32 to index
      %swap3A_403 = tpu.vector_load %arg5[%swap3A_401, %swap3A_402] {strides = array<i32>} : memref<64x512xf32, #tpu.memory_space<vmem>>, vector<16xf32>,
      tpu.vector_store %arg5[%swap3A_401, %swap3A_402], %broadcast_in_dim3A_3 {strides = array<i32>} : memref<64x512xf32, #tpu.memory_space<vmem>>, vector<16xf32>,
      %mul3A_404 = arith.constant 16 : i32
      %mul3A_405 = arith.muli %scan3A_133, %mul3A_404 : i32
      %swap3A_406 = arith.constant 22 : i32
      %swap3A_407 = arith.index_cast %swap3A_406 : i32 to index
      %swap3A_408 = arith.index_cast %mul3A_405 : i32 to index
      %swap3A_409 = tpu.vector_load %arg6[%swap3A_407, %swap3A_408] {strides = array<i32>} : memref<64x512xf32, #tpu.memory_space<vmem>>, vector<16xf32>,
      tpu.vector_store %arg6[%swap3A_407, %swap3A_408], %broadcast_in_dim3A_3 {strides = array<i32>} : memref<64x512xf32, #tpu.memory_space<vmem>>, vector<16xf32>,
      %mul3A_410 = arith.constant 16 : i32
      %mul3A_411 = arith.muli %scan3A_133, %mul3A_410 : i32
      %swap3A_412 = arith.constant 23 : i32
      %swap3A_413 = arith.index_cast %swap3A_412 : i32 to index
      %swap3A_414 = arith.index_cast %mul3A_411 : i32 to index
      %swap3A_415 = tpu.vector_load %arg5[%swap3A_413, %swap3A_414] {strides = array<i32>} : memref<64x512xf32, #tpu.memory_space<vmem>>, vector<16xf32>,
      tpu.vector_store %arg5[%swap3A_413, %swap3A_414], %broadcast_in_dim3A_3 {strides = array<i32>} : memref<64x512xf32, #tpu.memory_space<vmem>>, vector<16xf32>,
      %mul3A_416 = arith.constant 16 : i32
      %mul3A_417 = arith.muli %scan3A_133, %mul3A_416 : i32
      %swap3A_418 = arith.constant 23 : i32
      %swap3A_419 = arith.index_cast %swap3A_418 : i32 to index
      %swap3A_420 = arith.index_cast %mul3A_417 : i32 to index
      %swap3A_421 = tpu.vector_load %arg6[%swap3A_419, %swap3A_420] {strides = array<i32>} : memref<64x512xf32, #tpu.memory_space<vmem>>, vector<16xf32>,
      tpu.vector_store %arg6[%swap3A_419, %swap3A_420], %broadcast_in_dim3A_3 {strides = array<i32>} : memref<64x512xf32, #tpu.memory_space<vmem>>, vector<16xf32>,
      %mul3A_422 = arith.constant 16 : i32
      %mul3A_423 = arith.muli %scan3A_133, %mul3A_422 : i32
      %swap3A_424 = arith.constant 24 : i32
      %swap3A_425 = arith.index_cast %swap3A_424 : i32 to index
      %swap3A_426 = arith.index_cast %mul3A_423 : i32 to index
      %swap3A_427 = tpu.vector_load %arg5[%swap3A_425, %swap3A_426] {strides = array<i32>} : memref<64x512xf32, #tpu.memory_space<vmem>>, vector<16xf32>,
      tpu.vector_store %arg5[%swap3A_425, %swap3A_426], %broadcast_in_dim3A_3 {strides = array<i32>} : memref<64x512xf32, #tpu.memory_space<vmem>>, vector<16xf32>,
      %mul3A_428 = arith.constant 16 : i32
      %mul3A_429 = arith.muli %scan3A_133, %mul3A_428 : i32
      %swap3A_430 = arith.constant 24 : i32
      %swap3A_431 = arith.index_cast %swap3A_430 : i32 to index
      %swap3A_432 = arith.index_cast %mul3A_429 : i32 to index
      %swap3A_433 = tpu.vector_load %arg6[%swap3A_431, %swap3A_432] {strides = array<i32>} : memref<64x512xf32, #tpu.memory_space<vmem>>, vector<16xf32>,
      tpu.vector_store %arg6[%swap3A_431, %swap3A_432], %broadcast_in_dim3A_3 {strides = array<i32>} : memref<64x512xf32, #tpu.memory_space<vmem>>, vector<16xf32>,
      %mul3A_434 = arith.constant 16 : i32
      %mul3A_435 = arith.muli %scan3A_133, %mul3A_434 : i32
      %swap3A_436 = arith.constant 25 : i32
      %swap3A_437 = arith.index_cast %swap3A_436 : i32 to index
      %swap3A_438 = arith.index_cast %mul3A_435 : i32 to index
      %swap3A_439 = tpu.vector_load %arg5[%swap3A_437, %swap3A_438] {strides = array<i32>} : memref<64x512xf32, #tpu.memory_space<vmem>>, vector<16xf32>,
      tpu.vector_store %arg5[%swap3A_437, %swap3A_438], %broadcast_in_dim3A_3 {strides = array<i32>} : memref<64x512xf32, #tpu.memory_space<vmem>>, vector<16xf32>,
      %mul3A_440 = arith.constant 16 : i32
      %mul3A_441 = arith.muli %scan3A_133, %mul3A_440 : i32
      %swap3A_442 = arith.constant 25 : i32
      %swap3A_443 = arith.index_cast %swap3A_442 : i32 to index
      %swap3A_444 = arith.index_cast %mul3A_441 : i32 to index
      %swap3A_445 = tpu.vector_load %arg6[%swap3A_443, %swap3A_444] {strides = array<i32>} : memref<64x512xf32, #tpu.memory_space<vmem>>, vector<16xf32>,
      tpu.vector_store %arg6[%swap3A_443, %swap3A_444], %broadcast_in_dim3A_3 {strides = array<i32>} : memref<64x512xf32, #tpu.memory_space<vmem>>, vector<16xf32>,
      %mul3A_446 = arith.constant 16 : i32
      %mul3A_447 = arith.muli %scan3A_133, %mul3A_446 : i32
      %swap3A_448 = arith.constant 26 : i32
      %swap3A_449 = arith.index_cast %swap3A_448 : i32 to index
      %swap3A_450 = arith.index_cast %mul3A_447 : i32 to index
      %swap3A_451 = tpu.vector_load %arg5[%swap3A_449, %swap3A_450] {strides = array<i32>} : memref<64x512xf32, #tpu.memory_space<vmem>>, vector<16xf32>,
      tpu.vector_store %arg5[%swap3A_449, %swap3A_450], %broadcast_in_dim3A_3 {strides = array<i32>} : memref<64x512xf32, #tpu.memory_space<vmem>>, vector<16xf32>,
      %mul3A_452 = arith.constant 16 : i32
      %mul3A_453 = arith.muli %scan3A_133, %mul3A_452 : i32
      %swap3A_454 = arith.constant 26 : i32
      %swap3A_455 = arith.index_cast %swap3A_454 : i32 to index
      %swap3A_456 = arith.index_cast %mul3A_453 : i32 to index
      %swap3A_457 = tpu.vector_load %arg6[%swap3A_455, %swap3A_456] {strides = array<i32>} : memref<64x512xf32, #tpu.memory_space<vmem>>, vector<16xf32>,
      tpu.vector_store %arg6[%swap3A_455, %swap3A_456], %broadcast_in_dim3A_3 {strides = array<i32>} : memref<64x512xf32, #tpu.memory_space<vmem>>, vector<16xf32>,
      %mul3A_458 = arith.constant 16 : i32
      %mul3A_459 = arith.muli %scan3A_133, %mul3A_458 : i32
      %swap3A_460 = arith.constant 27 : i32
      %swap3A_461 = arith.index_cast %swap3A_460 : i32 to index
      %swap3A_462 = arith.index_cast %mul3A_459 : i32 to index
      %swap3A_463 = tpu.vector_load %arg5[%swap3A_461, %swap3A_462] {strides = array<i32>} : memref<64x512xf32, #tpu.memory_space<vmem>>, vector<16xf32>,
      tpu.vector_store %arg5[%swap3A_461, %swap3A_462], %broadcast_in_dim3A_3 {strides = array<i32>} : memref<64x512xf32, #tpu.memory_space<vmem>>, vector<16xf32>,
      %mul3A_464 = arith.constant 16 : i32
      %mul3A_465 = arith.muli %scan3A_133, %mul3A_464 : i32
      %swap3A_466 = arith.constant 27 : i32
      %swap3A_467 = arith.index_cast %swap3A_466 : i32 to index
      %swap3A_468 = arith.index_cast %mul3A_465 : i32 to index
      %swap3A_469 = tpu.vector_load %arg6[%swap3A_467, %swap3A_468] {strides = array<i32>} : memref<64x512xf32, #tpu.memory_space<vmem>>, vector<16xf32>,
      tpu.vector_store %arg6[%swap3A_467, %swap3A_468], %broadcast_in_dim3A_3 {strides = array<i32>} : memref<64x512xf32, #tpu.memory_space<vmem>>, vector<16xf32>,
      %mul3A_470 = arith.constant 16 : i32
      %mul3A_471 = arith.muli %scan3A_133, %mul3A_470 : i32
      %swap3A_472 = arith.constant 28 : i32
      %swap3A_473 = arith.index_cast %swap3A_472 : i32 to index
      %swap3A_474 = arith.index_cast %mul3A_471 : i32 to index
      %swap3A_475 = tpu.vector_load %arg5[%swap3A_473, %swap3A_474] {strides = array<i32>} : memref<64x512xf32, #tpu.memory_space<vmem>>, vector<16xf32>,
      tpu.vector_store %arg5[%swap3A_473, %swap3A_474], %broadcast_in_dim3A_3 {strides = array<i32>} : memref<64x512xf32, #tpu.memory_space<vmem>>, vector<16xf32>,
      %mul3A_476 = arith.constant 16 : i32
      %mul3A_477 = arith.muli %scan3A_133, %mul3A_476 : i32
      %swap3A_478 = arith.constant 28 : i32
      %swap3A_479 = arith.index_cast %swap3A_478 : i32 to index
      %swap3A_480 = arith.index_cast %mul3A_477 : i32 to index
      %swap3A_481 = tpu.vector_load %arg6[%swap3A_479, %swap3A_480] {strides = array<i32>} : memref<64x512xf32, #tpu.memory_space<vmem>>, vector<16xf32>,
      tpu.vector_store %arg6[%swap3A_479, %swap3A_480], %broadcast_in_dim3A_3 {strides = array<i32>} : memref<64x512xf32, #tpu.memory_space<vmem>>, vector<16xf32>,
      %mul3A_482 = arith.constant 16 : i32
      %mul3A_483 = arith.muli %scan3A_133, %mul3A_482 : i32
      %swap3A_484 = arith.constant 29 : i32
      %swap3A_485 = arith.index_cast %swap3A_484 : i32 to index
      %swap3A_486 = arith.index_cast %mul3A_483 : i32 to index
      %swap3A_487 = tpu.vector_load %arg5[%swap3A_485, %swap3A_486] {strides = array<i32>} : memref<64x512xf32, #tpu.memory_space<vmem>>, vector<16xf32>,
      tpu.vector_store %arg5[%swap3A_485, %swap3A_486], %broadcast_in_dim3A_3 {strides = array<i32>} : memref<64x512xf32, #tpu.memory_space<vmem>>, vector<16xf32>,
      %mul3A_488 = arith.constant 16 : i32
      %mul3A_489 = arith.muli %scan3A_133, %mul3A_488 : i32
      %swap3A_490 = arith.constant 29 : i32
      %swap3A_491 = arith.index_cast %swap3A_490 : i32 to index
      %swap3A_492 = arith.index_cast %mul3A_489 : i32 to index
      %swap3A_493 = tpu.vector_load %arg6[%swap3A_491, %swap3A_492] {strides = array<i32>} : memref<64x512xf32, #tpu.memory_space<vmem>>, vector<16xf32>,
      tpu.vector_store %arg6[%swap3A_491, %swap3A_492], %broadcast_in_dim3A_3 {strides = array<i32>} : memref<64x512xf32, #tpu.memory_space<vmem>>, vector<16xf32>,
      %mul3A_494 = arith.constant 16 : i32
      %mul3A_495 = arith.muli %scan3A_133, %mul3A_494 : i32
      %swap3A_496 = arith.constant 30 : i32
      %swap3A_497 = arith.index_cast %swap3A_496 : i32 to index
      %swap3A_498 = arith.index_cast %mul3A_495 : i32 to index
      %swap3A_499 = tpu.vector_load %arg5[%swap3A_497, %swap3A_498] {strides = array<i32>} : memref<64x512xf32, #tpu.memory_space<vmem>>, vector<16xf32>,
      tpu.vector_store %arg5[%swap3A_497, %swap3A_498], %broadcast_in_dim3A_3 {strides = array<i32>} : memref<64x512xf32, #tpu.memory_space<vmem>>, vector<16xf32>,
      %mul3A_500 = arith.constant 16 : i32
      %mul3A_501 = arith.muli %scan3A_133, %mul3A_500 : i32
      %swap3A_502 = arith.constant 30 : i32
      %swap3A_503 = arith.index_cast %swap3A_502 : i32 to index
      %swap3A_504 = arith.index_cast %mul3A_501 : i32 to index
      %swap3A_505 = tpu.vector_load %arg6[%swap3A_503, %swap3A_504] {strides = array<i32>} : memref<64x512xf32, #tpu.memory_space<vmem>>, vector<16xf32>,
      tpu.vector_store %arg6[%swap3A_503, %swap3A_504], %broadcast_in_dim3A_3 {strides = array<i32>} : memref<64x512xf32, #tpu.memory_space<vmem>>, vector<16xf32>,
      %mul3A_506 = arith.constant 16 : i32
      %mul3A_507 = arith.muli %scan3A_133, %mul3A_506 : i32
      %swap3A_508 = arith.constant 31 : i32
      %swap3A_509 = arith.index_cast %swap3A_508 : i32 to index
      %swap3A_510 = arith.index_cast %mul3A_507 : i32 to index
      %swap3A_511 = tpu.vector_load %arg5[%swap3A_509, %swap3A_510] {strides = array<i32>} : memref<64x512xf32, #tpu.memory_space<vmem>>, vector<16xf32>,
      tpu.vector_store %arg5[%swap3A_509, %swap3A_510], %broadcast_in_dim3A_3 {strides = array<i32>} : memref<64x512xf32, #tpu.memory_space<vmem>>, vector<16xf32>,
      %mul3A_512 = arith.constant 16 : i32
      %mul3A_513 = arith.muli %scan3A_133, %mul3A_512 : i32
      %swap3A_514 = arith.constant 31 : i32
      %swap3A_515 = arith.index_cast %swap3A_514 : i32 to index
      %swap3A_516 = arith.index_cast %mul3A_513 : i32 to index
      %swap3A_517 = tpu.vector_load %arg6[%swap3A_515, %swap3A_516] {strides = array<i32>} : memref<64x512xf32, #tpu.memory_space<vmem>>, vector<16xf32>,
      tpu.vector_store %arg6[%swap3A_515, %swap3A_516], %broadcast_in_dim3A_3 {strides = array<i32>} : memref<64x512xf32, #tpu.memory_space<vmem>>, vector<16xf32>,
      %mul3A_518 = arith.constant 16 : i32
      %mul3A_519 = arith.muli %scan3A_133, %mul3A_518 : i32
      %swap3A_520 = arith.constant 32 : i32
      %swap3A_521 = arith.index_cast %swap3A_520 : i32 to index
      %swap3A_522 = arith.index_cast %mul3A_519 : i32 to index
      %swap3A_523 = tpu.vector_load %arg5[%swap3A_521, %swap3A_522] {strides = array<i32>} : memref<64x512xf32, #tpu.memory_space<vmem>>, vector<16xf32>,
      tpu.vector_store %arg5[%swap3A_521, %swap3A_522], %broadcast_in_dim3A_3 {strides = array<i32>} : memref<64x512xf32, #tpu.memory_space<vmem>>, vector<16xf32>,
      %mul3A_524 = arith.constant 16 : i32
      %mul3A_525 = arith.muli %scan3A_133, %mul3A_524 : i32
      %swap3A_526 = arith.constant 32 : i32
      %swap3A_527 = arith.index_cast %swap3A_526 : i32 to index
      %swap3A_528 = arith.index_cast %mul3A_525 : i32 to index
      %swap3A_529 = tpu.vector_load %arg6[%swap3A_527, %swap3A_528] {strides = array<i32>} : memref<64x512xf32, #tpu.memory_space<vmem>>, vector<16xf32>,
      tpu.vector_store %arg6[%swap3A_527, %swap3A_528], %broadcast_in_dim3A_3 {strides = array<i32>} : memref<64x512xf32, #tpu.memory_space<vmem>>, vector<16xf32>,
      %mul3A_530 = arith.constant 16 : i32
      %mul3A_531 = arith.muli %scan3A_133, %mul3A_530 : i32
      %swap3A_532 = arith.constant 33 : i32
      %swap3A_533 = arith.index_cast %swap3A_532 : i32 to index
      %swap3A_534 = arith.index_cast %mul3A_531 : i32 to index
      %swap3A_535 = tpu.vector_load %arg5[%swap3A_533, %swap3A_534] {strides = array<i32>} : memref<64x512xf32, #tpu.memory_space<vmem>>, vector<16xf32>,
      tpu.vector_store %arg5[%swap3A_533, %swap3A_534], %broadcast_in_dim3A_3 {strides = array<i32>} : memref<64x512xf32, #tpu.memory_space<vmem>>, vector<16xf32>,
      %mul3A_536 = arith.constant 16 : i32
      %mul3A_537 = arith.muli %scan3A_133, %mul3A_536 : i32
      %swap3A_538 = arith.constant 33 : i32
      %swap3A_539 = arith.index_cast %swap3A_538 : i32 to index
      %swap3A_540 = arith.index_cast %mul3A_537 : i32 to index
      %swap3A_541 = tpu.vector_load %arg6[%swap3A_539, %swap3A_540] {strides = array<i32>} : memref<64x512xf32, #tpu.memory_space<vmem>>, vector<16xf32>,
      tpu.vector_store %arg6[%swap3A_539, %swap3A_540], %broadcast_in_dim3A_3 {strides = array<i32>} : memref<64x512xf32, #tpu.memory_space<vmem>>, vector<16xf32>,
      %mul3A_542 = arith.constant 16 : i32
      %mul3A_543 = arith.muli %scan3A_133, %mul3A_542 : i32
      %swap3A_544 = arith.constant 34 : i32
      %swap3A_545 = arith.index_cast %swap3A_544 : i32 to index
      %swap3A_546 = arith.index_cast %mul3A_543 : i32 to index
      %swap3A_547 = tpu.vector_load %arg5[%swap3A_545, %swap3A_546] {strides = array<i32>} : memref<64x512xf32, #tpu.memory_space<vmem>>, vector<16xf32>,
      tpu.vector_store %arg5[%swap3A_545, %swap3A_546], %broadcast_in_dim3A_3 {strides = array<i32>} : memref<64x512xf32, #tpu.memory_space<vmem>>, vector<16xf32>,
      %mul3A_548 = arith.constant 16 : i32
      %mul3A_549 = arith.muli %scan3A_133, %mul3A_548 : i32
      %swap3A_550 = arith.constant 34 : i32
      %swap3A_551 = arith.index_cast %swap3A_550 : i32 to index
      %swap3A_552 = arith.index_cast %mul3A_549 : i32 to index
      %swap3A_553 = tpu.vector_load %arg6[%swap3A_551, %swap3A_552] {strides = array<i32>} : memref<64x512xf32, #tpu.memory_space<vmem>>, vector<16xf32>,
      tpu.vector_store %arg6[%swap3A_551, %swap3A_552], %broadcast_in_dim3A_3 {strides = array<i32>} : memref<64x512xf32, #tpu.memory_space<vmem>>, vector<16xf32>,
      %mul3A_554 = arith.constant 16 : i32
      %mul3A_555 = arith.muli %scan3A_133, %mul3A_554 : i32
      %swap3A_556 = arith.constant 35 : i32
      %swap3A_557 = arith.index_cast %swap3A_556 : i32 to index
      %swap3A_558 = arith.index_cast %mul3A_555 : i32 to index
      %swap3A_559 = tpu.vector_load %arg5[%swap3A_557, %swap3A_558] {strides = array<i32>} : memref<64x512xf32, #tpu.memory_space<vmem>>, vector<16xf32>,
      tpu.vector_store %arg5[%swap3A_557, %swap3A_558], %broadcast_in_dim3A_3 {strides = array<i32>} : memref<64x512xf32, #tpu.memory_space<vmem>>, vector<16xf32>,
      %mul3A_560 = arith.constant 16 : i32
      %mul3A_561 = arith.muli %scan3A_133, %mul3A_560 : i32
      %swap3A_562 = arith.constant 35 : i32
      %swap3A_563 = arith.index_cast %swap3A_562 : i32 to index
      %swap3A_564 = arith.index_cast %mul3A_561 : i32 to index
      %swap3A_565 = tpu.vector_load %arg6[%swap3A_563, %swap3A_564] {strides = array<i32>} : memref<64x512xf32, #tpu.memory_space<vmem>>, vector<16xf32>,
      tpu.vector_store %arg6[%swap3A_563, %swap3A_564], %broadcast_in_dim3A_3 {strides = array<i32>} : memref<64x512xf32, #tpu.memory_space<vmem>>, vector<16xf32>,
      %mul3A_566 = arith.constant 16 : i32
      %mul3A_567 = arith.muli %scan3A_133, %mul3A_566 : i32
      %swap3A_568 = arith.constant 36 : i32
      %swap3A_569 = arith.index_cast %swap3A_568 : i32 to index
      %swap3A_570 = arith.index_cast %mul3A_567 : i32 to index
      %swap3A_571 = tpu.vector_load %arg5[%swap3A_569, %swap3A_570] {strides = array<i32>} : memref<64x512xf32, #tpu.memory_space<vmem>>, vector<16xf32>,
      tpu.vector_store %arg5[%swap3A_569, %swap3A_570], %broadcast_in_dim3A_3 {strides = array<i32>} : memref<64x512xf32, #tpu.memory_space<vmem>>, vector<16xf32>,
      %mul3A_572 = arith.constant 16 : i32
      %mul3A_573 = arith.muli %scan3A_133, %mul3A_572 : i32
      %swap3A_574 = arith.constant 36 : i32
      %swap3A_575 = arith.index_cast %swap3A_574 : i32 to index
      %swap3A_576 = arith.index_cast %mul3A_573 : i32 to index
      %swap3A_577 = tpu.vector_load %arg6[%swap3A_575, %swap3A_576] {strides = array<i32>} : memref<64x512xf32, #tpu.memory_space<vmem>>, vector<16xf32>,
      tpu.vector_store %arg6[%swap3A_575, %swap3A_576], %broadcast_in_dim3A_3 {strides = array<i32>} : memref<64x512xf32, #tpu.memory_space<vmem>>, vector<16xf32>,
      %mul3A_578 = arith.constant 16 : i32
      %mul3A_579 = arith.muli %scan3A_133, %mul3A_578 : i32
      %swap3A_580 = arith.constant 37 : i32
      %swap3A_581 = arith.index_cast %swap3A_580 : i32 to index
      %swap3A_582 = arith.index_cast %mul3A_579 : i32 to index
      %swap3A_583 = tpu.vector_load %arg5[%swap3A_581, %swap3A_582] {strides = array<i32>} : memref<64x512xf32, #tpu.memory_space<vmem>>, vector<16xf32>,
      tpu.vector_store %arg5[%swap3A_581, %swap3A_582], %broadcast_in_dim3A_3 {strides = array<i32>} : memref<64x512xf32, #tpu.memory_space<vmem>>, vector<16xf32>,
      %mul3A_584 = arith.constant 16 : i32
      %mul3A_585 = arith.muli %scan3A_133, %mul3A_584 : i32
      %swap3A_586 = arith.constant 37 : i32
      %swap3A_587 = arith.index_cast %swap3A_586 : i32 to index
      %swap3A_588 = arith.index_cast %mul3A_585 : i32 to index
      %swap3A_589 = tpu.vector_load %arg6[%swap3A_587, %swap3A_588] {strides = array<i32>} : memref<64x512xf32, #tpu.memory_space<vmem>>, vector<16xf32>,
      tpu.vector_store %arg6[%swap3A_587, %swap3A_588], %broadcast_in_dim3A_3 {strides = array<i32>} : memref<64x512xf32, #tpu.memory_space<vmem>>, vector<16xf32>,
      %mul3A_590 = arith.constant 16 : i32
      %mul3A_591 = arith.muli %scan3A_133, %mul3A_590 : i32
      %swap3A_592 = arith.constant 38 : i32
      %swap3A_593 = arith.index_cast %swap3A_592 : i32 to index
      %swap3A_594 = arith.index_cast %mul3A_591 : i32 to index
      %swap3A_595 = tpu.vector_load %arg5[%swap3A_593, %swap3A_594] {strides = array<i32>} : memref<64x512xf32, #tpu.memory_space<vmem>>, vector<16xf32>,
      tpu.vector_store %arg5[%swap3A_593, %swap3A_594], %broadcast_in_dim3A_3 {strides = array<i32>} : memref<64x512xf32, #tpu.memory_space<vmem>>, vector<16xf32>,
      %mul3A_596 = arith.constant 16 : i32
      %mul3A_597 = arith.muli %scan3A_133, %mul3A_596 : i32
      %swap3A_598 = arith.constant 38 : i32
      %swap3A_599 = arith.index_cast %swap3A_598 : i32 to index
      %swap3A_600 = arith.index_cast %mul3A_597 : i32 to index
      %swap3A_601 = tpu.vector_load %arg6[%swap3A_599, %swap3A_600] {strides = array<i32>} : memref<64x512xf32, #tpu.memory_space<vmem>>, vector<16xf32>,
      tpu.vector_store %arg6[%swap3A_599, %swap3A_600], %broadcast_in_dim3A_3 {strides = array<i32>} : memref<64x512xf32, #tpu.memory_space<vmem>>, vector<16xf32>,
      %mul3A_602 = arith.constant 16 : i32
      %mul3A_603 = arith.muli %scan3A_133, %mul3A_602 : i32
      %swap3A_604 = arith.constant 39 : i32
      %swap3A_605 = arith.index_cast %swap3A_604 : i32 to index
      %swap3A_606 = arith.index_cast %mul3A_603 : i32 to index
      %swap3A_607 = tpu.vector_load %arg5[%swap3A_605, %swap3A_606] {strides = array<i32>} : memref<64x512xf32, #tpu.memory_space<vmem>>, vector<16xf32>,
      tpu.vector_store %arg5[%swap3A_605, %swap3A_606], %broadcast_in_dim3A_3 {strides = array<i32>} : memref<64x512xf32, #tpu.memory_space<vmem>>, vector<16xf32>,
      %mul3A_608 = arith.constant 16 : i32
      %mul3A_609 = arith.muli %scan3A_133, %mul3A_608 : i32
      %swap3A_610 = arith.constant 39 : i32
      %swap3A_611 = arith.index_cast %swap3A_610 : i32 to index
      %swap3A_612 = arith.index_cast %mul3A_609 : i32 to index
      %swap3A_613 = tpu.vector_load %arg6[%swap3A_611, %swap3A_612] {strides = array<i32>} : memref<64x512xf32, #tpu.memory_space<vmem>>, vector<16xf32>,
      tpu.vector_store %arg6[%swap3A_611, %swap3A_612], %broadcast_in_dim3A_3 {strides = array<i32>} : memref<64x512xf32, #tpu.memory_space<vmem>>, vector<16xf32>,
      %mul3A_614 = arith.constant 16 : i32
      %mul3A_615 = arith.muli %scan3A_133, %mul3A_614 : i32
      %swap3A_616 = arith.constant 40 : i32
      %swap3A_617 = arith.index_cast %swap3A_616 : i32 to index
      %swap3A_618 = arith.index_cast %mul3A_615 : i32 to index
      %swap3A_619 = tpu.vector_load %arg5[%swap3A_617, %swap3A_618] {strides = array<i32>} : memref<64x512xf32, #tpu.memory_space<vmem>>, vector<16xf32>,
      tpu.vector_store %arg5[%swap3A_617, %swap3A_618], %broadcast_in_dim3A_3 {strides = array<i32>} : memref<64x512xf32, #tpu.memory_space<vmem>>, vector<16xf32>,
      %mul3A_620 = arith.constant 16 : i32
      %mul3A_621 = arith.muli %scan3A_133, %mul3A_620 : i32
      %swap3A_622 = arith.constant 40 : i32
      %swap3A_623 = arith.index_cast %swap3A_622 : i32 to index
      %swap3A_624 = arith.index_cast %mul3A_621 : i32 to index
      %swap3A_625 = tpu.vector_load %arg6[%swap3A_623, %swap3A_624] {strides = array<i32>} : memref<64x512xf32, #tpu.memory_space<vmem>>, vector<16xf32>,
      tpu.vector_store %arg6[%swap3A_623, %swap3A_624], %broadcast_in_dim3A_3 {strides = array<i32>} : memref<64x512xf32, #tpu.memory_space<vmem>>, vector<16xf32>,
      %mul3A_626 = arith.constant 16 : i32
      %mul3A_627 = arith.muli %scan3A_133, %mul3A_626 : i32
      %swap3A_628 = arith.constant 41 : i32
      %swap3A_629 = arith.index_cast %swap3A_628 : i32 to index
      %swap3A_630 = arith.index_cast %mul3A_627 : i32 to index
      %swap3A_631 = tpu.vector_load %arg5[%swap3A_629, %swap3A_630] {strides = array<i32>} : memref<64x512xf32, #tpu.memory_space<vmem>>, vector<16xf32>,
      tpu.vector_store %arg5[%swap3A_629, %swap3A_630], %broadcast_in_dim3A_3 {strides = array<i32>} : memref<64x512xf32, #tpu.memory_space<vmem>>, vector<16xf32>,
      %mul3A_632 = arith.constant 16 : i32
      %mul3A_633 = arith.muli %scan3A_133, %mul3A_632 : i32
      %swap3A_634 = arith.constant 41 : i32
      %swap3A_635 = arith.index_cast %swap3A_634 : i32 to index
      %swap3A_636 = arith.index_cast %mul3A_633 : i32 to index
      %swap3A_637 = tpu.vector_load %arg6[%swap3A_635, %swap3A_636] {strides = array<i32>} : memref<64x512xf32, #tpu.memory_space<vmem>>, vector<16xf32>,
      tpu.vector_store %arg6[%swap3A_635, %swap3A_636], %broadcast_in_dim3A_3 {strides = array<i32>} : memref<64x512xf32, #tpu.memory_space<vmem>>, vector<16xf32>,
      %mul3A_638 = arith.constant 16 : i32
      %mul3A_639 = arith.muli %scan3A_133, %mul3A_638 : i32
      %swap3A_640 = arith.constant 42 : i32
      %swap3A_641 = arith.index_cast %swap3A_640 : i32 to index
      %swap3A_642 = arith.index_cast %mul3A_639 : i32 to index
      %swap3A_643 = tpu.vector_load %arg5[%swap3A_641, %swap3A_642] {strides = array<i32>} : memref<64x512xf32, #tpu.memory_space<vmem>>, vector<16xf32>,
      tpu.vector_store %arg5[%swap3A_641, %swap3A_642], %broadcast_in_dim3A_3 {strides = array<i32>} : memref<64x512xf32, #tpu.memory_space<vmem>>, vector<16xf32>,
      %mul3A_644 = arith.constant 16 : i32
      %mul3A_645 = arith.muli %scan3A_133, %mul3A_644 : i32
      %swap3A_646 = arith.constant 42 : i32
      %swap3A_647 = arith.index_cast %swap3A_646 : i32 to index
      %swap3A_648 = arith.index_cast %mul3A_645 : i32 to index
      %swap3A_649 = tpu.vector_load %arg6[%swap3A_647, %swap3A_648] {strides = array<i32>} : memref<64x512xf32, #tpu.memory_space<vmem>>, vector<16xf32>,
      tpu.vector_store %arg6[%swap3A_647, %swap3A_648], %broadcast_in_dim3A_3 {strides = array<i32>} : memref<64x512xf32, #tpu.memory_space<vmem>>, vector<16xf32>,
      %mul3A_650 = arith.constant 16 : i32
      %mul3A_651 = arith.muli %scan3A_133, %mul3A_650 : i32
      %swap3A_652 = arith.constant 43 : i32
      %swap3A_653 = arith.index_cast %swap3A_652 : i32 to index
      %swap3A_654 = arith.index_cast %mul3A_651 : i32 to index
      %swap3A_655 = tpu.vector_load %arg5[%swap3A_653, %swap3A_654] {strides = array<i32>} : memref<64x512xf32, #tpu.memory_space<vmem>>, vector<16xf32>,
      tpu.vector_store %arg5[%swap3A_653, %swap3A_654], %broadcast_in_dim3A_3 {strides = array<i32>} : memref<64x512xf32, #tpu.memory_space<vmem>>, vector<16xf32>,
      %mul3A_656 = arith.constant 16 : i32
      %mul3A_657 = arith.muli %scan3A_133, %mul3A_656 : i32
      %swap3A_658 = arith.constant 43 : i32
      %swap3A_659 = arith.index_cast %swap3A_658 : i32 to index
      %swap3A_660 = arith.index_cast %mul3A_657 : i32 to index
      %swap3A_661 = tpu.vector_load %arg6[%swap3A_659, %swap3A_660] {strides = array<i32>} : memref<64x512xf32, #tpu.memory_space<vmem>>, vector<16xf32>,
      tpu.vector_store %arg6[%swap3A_659, %swap3A_660], %broadcast_in_dim3A_3 {strides = array<i32>} : memref<64x512xf32, #tpu.memory_space<vmem>>, vector<16xf32>,
      %mul3A_662 = arith.constant 16 : i32
      %mul3A_663 = arith.muli %scan3A_133, %mul3A_662 : i32
      %swap3A_664 = arith.constant 44 : i32
      %swap3A_665 = arith.index_cast %swap3A_664 : i32 to index
      %swap3A_666 = arith.index_cast %mul3A_663 : i32 to index
      %swap3A_667 = tpu.vector_load %arg5[%swap3A_665, %swap3A_666] {strides = array<i32>} : memref<64x512xf32, #tpu.memory_space<vmem>>, vector<16xf32>,
      tpu.vector_store %arg5[%swap3A_665, %swap3A_666], %broadcast_in_dim3A_3 {strides = array<i32>} : memref<64x512xf32, #tpu.memory_space<vmem>>, vector<16xf32>,
      %mul3A_668 = arith.constant 16 : i32
      %mul3A_669 = arith.muli %scan3A_133, %mul3A_668 : i32
      %swap3A_670 = arith.constant 44 : i32
      %swap3A_671 = arith.index_cast %swap3A_670 : i32 to index
      %swap3A_672 = arith.index_cast %mul3A_669 : i32 to index
      %swap3A_673 = tpu.vector_load %arg6[%swap3A_671, %swap3A_672] {strides = array<i32>} : memref<64x512xf32, #tpu.memory_space<vmem>>, vector<16xf32>,
      tpu.vector_store %arg6[%swap3A_671, %swap3A_672], %broadcast_in_dim3A_3 {strides = array<i32>} : memref<64x512xf32, #tpu.memory_space<vmem>>, vector<16xf32>,
      %mul3A_674 = arith.constant 16 : i32
      %mul3A_675 = arith.muli %scan3A_133, %mul3A_674 : i32
      %swap3A_676 = arith.constant 45 : i32
      %swap3A_677 = arith.index_cast %swap3A_676 : i32 to index
      %swap3A_678 = arith.index_cast %mul3A_675 : i32 to index
      %swap3A_679 = tpu.vector_load %arg5[%swap3A_677, %swap3A_678] {strides = array<i32>} : memref<64x512xf32, #tpu.memory_space<vmem>>, vector<16xf32>,
      tpu.vector_store %arg5[%swap3A_677, %swap3A_678], %broadcast_in_dim3A_3 {strides = array<i32>} : memref<64x512xf32, #tpu.memory_space<vmem>>, vector<16xf32>,
      %mul3A_680 = arith.constant 16 : i32
      %mul3A_681 = arith.muli %scan3A_133, %mul3A_680 : i32
      %swap3A_682 = arith.constant 45 : i32
      %swap3A_683 = arith.index_cast %swap3A_682 : i32 to index
      %swap3A_684 = arith.index_cast %mul3A_681 : i32 to index
      %swap3A_685 = tpu.vector_load %arg6[%swap3A_683, %swap3A_684] {strides = array<i32>} : memref<64x512xf32, #tpu.memory_space<vmem>>, vector<16xf32>,
      tpu.vector_store %arg6[%swap3A_683, %swap3A_684], %broadcast_in_dim3A_3 {strides = array<i32>} : memref<64x512xf32, #tpu.memory_space<vmem>>, vector<16xf32>,
      %mul3A_686 = arith.constant 16 : i32
      %mul3A_687 = arith.muli %scan3A_133, %mul3A_686 : i32
      %swap3A_688 = arith.constant 46 : i32
      %swap3A_689 = arith.index_cast %swap3A_688 : i32 to index
      %swap3A_690 = arith.index_cast %mul3A_687 : i32 to index
      %swap3A_691 = tpu.vector_load %arg5[%swap3A_689, %swap3A_690] {strides = array<i32>} : memref<64x512xf32, #tpu.memory_space<vmem>>, vector<16xf32>,
      tpu.vector_store %arg5[%swap3A_689, %swap3A_690], %broadcast_in_dim3A_3 {strides = array<i32>} : memref<64x512xf32, #tpu.memory_space<vmem>>, vector<16xf32>,
      %mul3A_692 = arith.constant 16 : i32
      %mul3A_693 = arith.muli %scan3A_133, %mul3A_692 : i32
      %swap3A_694 = arith.constant 46 : i32
      %swap3A_695 = arith.index_cast %swap3A_694 : i32 to index
      %swap3A_696 = arith.index_cast %mul3A_693 : i32 to index
      %swap3A_697 = tpu.vector_load %arg6[%swap3A_695, %swap3A_696] {strides = array<i32>} : memref<64x512xf32, #tpu.memory_space<vmem>>, vector<16xf32>,
      tpu.vector_store %arg6[%swap3A_695, %swap3A_696], %broadcast_in_dim3A_3 {strides = array<i32>} : memref<64x512xf32, #tpu.memory_space<vmem>>, vector<16xf32>,
      %mul3A_698 = arith.constant 16 : i32
      %mul3A_699 = arith.muli %scan3A_133, %mul3A_698 : i32
      %swap3A_700 = arith.constant 47 : i32
      %swap3A_701 = arith.index_cast %swap3A_700 : i32 to index
      %swap3A_702 = arith.index_cast %mul3A_699 : i32 to index
      %swap3A_703 = tpu.vector_load %arg5[%swap3A_701, %swap3A_702] {strides = array<i32>} : memref<64x512xf32, #tpu.memory_space<vmem>>, vector<16xf32>,
      tpu.vector_store %arg5[%swap3A_701, %swap3A_702], %broadcast_in_dim3A_3 {strides = array<i32>} : memref<64x512xf32, #tpu.memory_space<vmem>>, vector<16xf32>,
      %mul3A_704 = arith.constant 16 : i32
      %mul3A_705 = arith.muli %scan3A_133, %mul3A_704 : i32
      %swap3A_706 = arith.constant 47 : i32
      %swap3A_707 = arith.index_cast %swap3A_706 : i32 to index
      %swap3A_708 = arith.index_cast %mul3A_705 : i32 to index
      %swap3A_709 = tpu.vector_load %arg6[%swap3A_707, %swap3A_708] {strides = array<i32>} : memref<64x512xf32, #tpu.memory_space<vmem>>, vector<16xf32>,
      tpu.vector_store %arg6[%swap3A_707, %swap3A_708], %broadcast_in_dim3A_3 {strides = array<i32>} : memref<64x512xf32, #tpu.memory_space<vmem>>, vector<16xf32>,
      %mul3A_710 = arith.constant 16 : i32
      %mul3A_711 = arith.muli %scan3A_133, %mul3A_710 : i32
      %swap3A_712 = arith.constant 48 : i32
      %swap3A_713 = arith.index_cast %swap3A_712 : i32 to index
      %swap3A_714 = arith.index_cast %mul3A_711 : i32 to index
      %swap3A_715 = tpu.vector_load %arg5[%swap3A_713, %swap3A_714] {strides = array<i32>} : memref<64x512xf32, #tpu.memory_space<vmem>>, vector<16xf32>,
      tpu.vector_store %arg5[%swap3A_713, %swap3A_714], %broadcast_in_dim3A_3 {strides = array<i32>} : memref<64x512xf32, #tpu.memory_space<vmem>>, vector<16xf32>,
      %mul3A_716 = arith.constant 16 : i32
      %mul3A_717 = arith.muli %scan3A_133, %mul3A_716 : i32
      %swap3A_718 = arith.constant 48 : i32
      %swap3A_719 = arith.index_cast %swap3A_718 : i32 to index
      %swap3A_720 = arith.index_cast %mul3A_717 : i32 to index
      %swap3A_721 = tpu.vector_load %arg6[%swap3A_719, %swap3A_720] {strides = array<i32>} : memref<64x512xf32, #tpu.memory_space<vmem>>, vector<16xf32>,
      tpu.vector_store %arg6[%swap3A_719, %swap3A_720], %broadcast_in_dim3A_3 {strides = array<i32>} : memref<64x512xf32, #tpu.memory_space<vmem>>, vector<16xf32>,
      %mul3A_722 = arith.constant 16 : i32
      %mul3A_723 = arith.muli %scan3A_133, %mul3A_722 : i32
      %swap3A_724 = arith.constant 49 : i32
      %swap3A_725 = arith.index_cast %swap3A_724 : i32 to index
      %swap3A_726 = arith.index_cast %mul3A_723 : i32 to index
      %swap3A_727 = tpu.vector_load %arg5[%swap3A_725, %swap3A_726] {strides = array<i32>} : memref<64x512xf32, #tpu.memory_space<vmem>>, vector<16xf32>,
      tpu.vector_store %arg5[%swap3A_725, %swap3A_726], %broadcast_in_dim3A_3 {strides = array<i32>} : memref<64x512xf32, #tpu.memory_space<vmem>>, vector<16xf32>,
      %mul3A_728 = arith.constant 16 : i32
      %mul3A_729 = arith.muli %scan3A_133, %mul3A_728 : i32
      %swap3A_730 = arith.constant 49 : i32
      %swap3A_731 = arith.index_cast %swap3A_730 : i32 to index
      %swap3A_732 = arith.index_cast %mul3A_729 : i32 to index
      %swap3A_733 = tpu.vector_load %arg6[%swap3A_731, %swap3A_732] {strides = array<i32>} : memref<64x512xf32, #tpu.memory_space<vmem>>, vector<16xf32>,
      tpu.vector_store %arg6[%swap3A_731, %swap3A_732], %broadcast_in_dim3A_3 {strides = array<i32>} : memref<64x512xf32, #tpu.memory_space<vmem>>, vector<16xf32>,
      %mul3A_734 = arith.constant 16 : i32
      %mul3A_735 = arith.muli %scan3A_133, %mul3A_734 : i32
      %swap3A_736 = arith.constant 50 : i32
      %swap3A_737 = arith.index_cast %swap3A_736 : i32 to index
      %swap3A_738 = arith.index_cast %mul3A_735 : i32 to index
      %swap3A_739 = tpu.vector_load %arg5[%swap3A_737, %swap3A_738] {strides = array<i32>} : memref<64x512xf32, #tpu.memory_space<vmem>>, vector<16xf32>,
      tpu.vector_store %arg5[%swap3A_737, %swap3A_738], %broadcast_in_dim3A_3 {strides = array<i32>} : memref<64x512xf32, #tpu.memory_space<vmem>>, vector<16xf32>,
      %mul3A_740 = arith.constant 16 : i32
      %mul3A_741 = arith.muli %scan3A_133, %mul3A_740 : i32
      %swap3A_742 = arith.constant 50 : i32
      %swap3A_743 = arith.index_cast %swap3A_742 : i32 to index
      %swap3A_744 = arith.index_cast %mul3A_741 : i32 to index
      %swap3A_745 = tpu.vector_load %arg6[%swap3A_743, %swap3A_744] {strides = array<i32>} : memref<64x512xf32, #tpu.memory_space<vmem>>, vector<16xf32>,
      tpu.vector_store %arg6[%swap3A_743, %swap3A_744], %broadcast_in_dim3A_3 {strides = array<i32>} : memref<64x512xf32, #tpu.memory_space<vmem>>, vector<16xf32>,
      %mul3A_746 = arith.constant 16 : i32
      %mul3A_747 = arith.muli %scan3A_133, %mul3A_746 : i32
      %swap3A_748 = arith.constant 51 : i32
      %swap3A_749 = arith.index_cast %swap3A_748 : i32 to index
      %swap3A_750 = arith.index_cast %mul3A_747 : i32 to index
      %swap3A_751 = tpu.vector_load %arg5[%swap3A_749, %swap3A_750] {strides = array<i32>} : memref<64x512xf32, #tpu.memory_space<vmem>>, vector<16xf32>,
      tpu.vector_store %arg5[%swap3A_749, %swap3A_750], %broadcast_in_dim3A_3 {strides = array<i32>} : memref<64x512xf32, #tpu.memory_space<vmem>>, vector<16xf32>,
      %mul3A_752 = arith.constant 16 : i32
      %mul3A_753 = arith.muli %scan3A_133, %mul3A_752 : i32
      %swap3A_754 = arith.constant 51 : i32
      %swap3A_755 = arith.index_cast %swap3A_754 : i32 to index
      %swap3A_756 = arith.index_cast %mul3A_753 : i32 to index
      %swap3A_757 = tpu.vector_load %arg6[%swap3A_755, %swap3A_756] {strides = array<i32>} : memref<64x512xf32, #tpu.memory_space<vmem>>, vector<16xf32>,
      tpu.vector_store %arg6[%swap3A_755, %swap3A_756], %broadcast_in_dim3A_3 {strides = array<i32>} : memref<64x512xf32, #tpu.memory_space<vmem>>, vector<16xf32>,
      %mul3A_758 = arith.constant 16 : i32
      %mul3A_759 = arith.muli %scan3A_133, %mul3A_758 : i32
      %swap3A_760 = arith.constant 52 : i32
      %swap3A_761 = arith.index_cast %swap3A_760 : i32 to index
      %swap3A_762 = arith.index_cast %mul3A_759 : i32 to index
      %swap3A_763 = tpu.vector_load %arg5[%swap3A_761, %swap3A_762] {strides = array<i32>} : memref<64x512xf32, #tpu.memory_space<vmem>>, vector<16xf32>,
      tpu.vector_store %arg5[%swap3A_761, %swap3A_762], %broadcast_in_dim3A_3 {strides = array<i32>} : memref<64x512xf32, #tpu.memory_space<vmem>>, vector<16xf32>,
      %mul3A_764 = arith.constant 16 : i32
      %mul3A_765 = arith.muli %scan3A_133, %mul3A_764 : i32
      %swap3A_766 = arith.constant 52 : i32
      %swap3A_767 = arith.index_cast %swap3A_766 : i32 to index
      %swap3A_768 = arith.index_cast %mul3A_765 : i32 to index
      %swap3A_769 = tpu.vector_load %arg6[%swap3A_767, %swap3A_768] {strides = array<i32>} : memref<64x512xf32, #tpu.memory_space<vmem>>, vector<16xf32>,
      tpu.vector_store %arg6[%swap3A_767, %swap3A_768], %broadcast_in_dim3A_3 {strides = array<i32>} : memref<64x512xf32, #tpu.memory_space<vmem>>, vector<16xf32>,
      %mul3A_770 = arith.constant 16 : i32
      %mul3A_771 = arith.muli %scan3A_133, %mul3A_770 : i32
      %swap3A_772 = arith.constant 53 : i32
      %swap3A_773 = arith.index_cast %swap3A_772 : i32 to index
      %swap3A_774 = arith.index_cast %mul3A_771 : i32 to index
      %swap3A_775 = tpu.vector_load %arg5[%swap3A_773, %swap3A_774] {strides = array<i32>} : memref<64x512xf32, #tpu.memory_space<vmem>>, vector<16xf32>,
      tpu.vector_store %arg5[%swap3A_773, %swap3A_774], %broadcast_in_dim3A_3 {strides = array<i32>} : memref<64x512xf32, #tpu.memory_space<vmem>>, vector<16xf32>,
      %mul3A_776 = arith.constant 16 : i32
      %mul3A_777 = arith.muli %scan3A_133, %mul3A_776 : i32
      %swap3A_778 = arith.constant 53 : i32
      %swap3A_779 = arith.index_cast %swap3A_778 : i32 to index
      %swap3A_780 = arith.index_cast %mul3A_777 : i32 to index
      %swap3A_781 = tpu.vector_load %arg6[%swap3A_779, %swap3A_780] {strides = array<i32>} : memref<64x512xf32, #tpu.memory_space<vmem>>, vector<16xf32>,
      tpu.vector_store %arg6[%swap3A_779, %swap3A_780], %broadcast_in_dim3A_3 {strides = array<i32>} : memref<64x512xf32, #tpu.memory_space<vmem>>, vector<16xf32>,
      %mul3A_782 = arith.constant 16 : i32
      %mul3A_783 = arith.muli %scan3A_133, %mul3A_782 : i32
      %swap3A_784 = arith.constant 54 : i32
      %swap3A_785 = arith.index_cast %swap3A_784 : i32 to index
      %swap3A_786 = arith.index_cast %mul3A_783 : i32 to index
      %swap3A_787 = tpu.vector_load %arg5[%swap3A_785, %swap3A_786] {strides = array<i32>} : memref<64x512xf32, #tpu.memory_space<vmem>>, vector<16xf32>,
      tpu.vector_store %arg5[%swap3A_785, %swap3A_786], %broadcast_in_dim3A_3 {strides = array<i32>} : memref<64x512xf32, #tpu.memory_space<vmem>>, vector<16xf32>,
      %mul3A_788 = arith.constant 16 : i32
      %mul3A_789 = arith.muli %scan3A_133, %mul3A_788 : i32
      %swap3A_790 = arith.constant 54 : i32
      %swap3A_791 = arith.index_cast %swap3A_790 : i32 to index
      %swap3A_792 = arith.index_cast %mul3A_789 : i32 to index
      %swap3A_793 = tpu.vector_load %arg6[%swap3A_791, %swap3A_792] {strides = array<i32>} : memref<64x512xf32, #tpu.memory_space<vmem>>, vector<16xf32>,
      tpu.vector_store %arg6[%swap3A_791, %swap3A_792], %broadcast_in_dim3A_3 {strides = array<i32>} : memref<64x512xf32, #tpu.memory_space<vmem>>, vector<16xf32>,
      %mul3A_794 = arith.constant 16 : i32
      %mul3A_795 = arith.muli %scan3A_133, %mul3A_794 : i32
      %swap3A_796 = arith.constant 55 : i32
      %swap3A_797 = arith.index_cast %swap3A_796 : i32 to index
      %swap3A_798 = arith.index_cast %mul3A_795 : i32 to index
      %swap3A_799 = tpu.vector_load %arg5[%swap3A_797, %swap3A_798] {strides = array<i32>} : memref<64x512xf32, #tpu.memory_space<vmem>>, vector<16xf32>,
      tpu.vector_store %arg5[%swap3A_797, %swap3A_798], %broadcast_in_dim3A_3 {strides = array<i32>} : memref<64x512xf32, #tpu.memory_space<vmem>>, vector<16xf32>,
      %mul3A_800 = arith.constant 16 : i32
      %mul3A_801 = arith.muli %scan3A_133, %mul3A_800 : i32
      %swap3A_802 = arith.constant 55 : i32
      %swap3A_803 = arith.index_cast %swap3A_802 : i32 to index
      %swap3A_804 = arith.index_cast %mul3A_801 : i32 to index
      %swap3A_805 = tpu.vector_load %arg6[%swap3A_803, %swap3A_804] {strides = array<i32>} : memref<64x512xf32, #tpu.memory_space<vmem>>, vector<16xf32>,
      tpu.vector_store %arg6[%swap3A_803, %swap3A_804], %broadcast_in_dim3A_3 {strides = array<i32>} : memref<64x512xf32, #tpu.memory_space<vmem>>, vector<16xf32>,
      %mul3A_806 = arith.constant 16 : i32
      %mul3A_807 = arith.muli %scan3A_133, %mul3A_806 : i32
      %swap3A_808 = arith.constant 56 : i32
      %swap3A_809 = arith.index_cast %swap3A_808 : i32 to index
      %swap3A_810 = arith.index_cast %mul3A_807 : i32 to index
      %swap3A_811 = tpu.vector_load %arg5[%swap3A_809, %swap3A_810] {strides = array<i32>} : memref<64x512xf32, #tpu.memory_space<vmem>>, vector<16xf32>,
      tpu.vector_store %arg5[%swap3A_809, %swap3A_810], %broadcast_in_dim3A_3 {strides = array<i32>} : memref<64x512xf32, #tpu.memory_space<vmem>>, vector<16xf32>,
      %mul3A_812 = arith.constant 16 : i32
      %mul3A_813 = arith.muli %scan3A_133, %mul3A_812 : i32
      %swap3A_814 = arith.constant 56 : i32
      %swap3A_815 = arith.index_cast %swap3A_814 : i32 to index
      %swap3A_816 = arith.index_cast %mul3A_813 : i32 to index
      %swap3A_817 = tpu.vector_load %arg6[%swap3A_815, %swap3A_816] {strides = array<i32>} : memref<64x512xf32, #tpu.memory_space<vmem>>, vector<16xf32>,
      tpu.vector_store %arg6[%swap3A_815, %swap3A_816], %broadcast_in_dim3A_3 {strides = array<i32>} : memref<64x512xf32, #tpu.memory_space<vmem>>, vector<16xf32>,
      %mul3A_818 = arith.constant 16 : i32
      %mul3A_819 = arith.muli %scan3A_133, %mul3A_818 : i32
      %swap3A_820 = arith.constant 57 : i32
      %swap3A_821 = arith.index_cast %swap3A_820 : i32 to index
      %swap3A_822 = arith.index_cast %mul3A_819 : i32 to index
      %swap3A_823 = tpu.vector_load %arg5[%swap3A_821, %swap3A_822] {strides = array<i32>} : memref<64x512xf32, #tpu.memory_space<vmem>>, vector<16xf32>,
      tpu.vector_store %arg5[%swap3A_821, %swap3A_822], %broadcast_in_dim3A_3 {strides = array<i32>} : memref<64x512xf32, #tpu.memory_space<vmem>>, vector<16xf32>,
      %mul3A_824 = arith.constant 16 : i32
      %mul3A_825 = arith.muli %scan3A_133, %mul3A_824 : i32
      %swap3A_826 = arith.constant 57 : i32
      %swap3A_827 = arith.index_cast %swap3A_826 : i32 to index
      %swap3A_828 = arith.index_cast %mul3A_825 : i32 to index
      %swap3A_829 = tpu.vector_load %arg6[%swap3A_827, %swap3A_828] {strides = array<i32>} : memref<64x512xf32, #tpu.memory_space<vmem>>, vector<16xf32>,
      tpu.vector_store %arg6[%swap3A_827, %swap3A_828], %broadcast_in_dim3A_3 {strides = array<i32>} : memref<64x512xf32, #tpu.memory_space<vmem>>, vector<16xf32>,
      %mul3A_830 = arith.constant 16 : i32
      %mul3A_831 = arith.muli %scan3A_133, %mul3A_830 : i32
      %swap3A_832 = arith.constant 58 : i32
      %swap3A_833 = arith.index_cast %swap3A_832 : i32 to index
      %swap3A_834 = arith.index_cast %mul3A_831 : i32 to index
      %swap3A_835 = tpu.vector_load %arg5[%swap3A_833, %swap3A_834] {strides = array<i32>} : memref<64x512xf32, #tpu.memory_space<vmem>>, vector<16xf32>,
      tpu.vector_store %arg5[%swap3A_833, %swap3A_834], %broadcast_in_dim3A_3 {strides = array<i32>} : memref<64x512xf32, #tpu.memory_space<vmem>>, vector<16xf32>,
      %mul3A_836 = arith.constant 16 : i32
      %mul3A_837 = arith.muli %scan3A_133, %mul3A_836 : i32
      %swap3A_838 = arith.constant 58 : i32
      %swap3A_839 = arith.index_cast %swap3A_838 : i32 to index
      %swap3A_840 = arith.index_cast %mul3A_837 : i32 to index
      %swap3A_841 = tpu.vector_load %arg6[%swap3A_839, %swap3A_840] {strides = array<i32>} : memref<64x512xf32, #tpu.memory_space<vmem>>, vector<16xf32>,
      tpu.vector_store %arg6[%swap3A_839, %swap3A_840], %broadcast_in_dim3A_3 {strides = array<i32>} : memref<64x512xf32, #tpu.memory_space<vmem>>, vector<16xf32>,
      %mul3A_842 = arith.constant 16 : i32
      %mul3A_843 = arith.muli %scan3A_133, %mul3A_842 : i32
      %swap3A_844 = arith.constant 59 : i32
      %swap3A_845 = arith.index_cast %swap3A_844 : i32 to index
      %swap3A_846 = arith.index_cast %mul3A_843 : i32 to index
      %swap3A_847 = tpu.vector_load %arg5[%swap3A_845, %swap3A_846] {strides = array<i32>} : memref<64x512xf32, #tpu.memory_space<vmem>>, vector<16xf32>,
      tpu.vector_store %arg5[%swap3A_845, %swap3A_846], %broadcast_in_dim3A_3 {strides = array<i32>} : memref<64x512xf32, #tpu.memory_space<vmem>>, vector<16xf32>,
      %mul3A_848 = arith.constant 16 : i32
      %mul3A_849 = arith.muli %scan3A_133, %mul3A_848 : i32
      %swap3A_850 = arith.constant 59 : i32
      %swap3A_851 = arith.index_cast %swap3A_850 : i32 to index
      %swap3A_852 = arith.index_cast %mul3A_849 : i32 to index
      %swap3A_853 = tpu.vector_load %arg6[%swap3A_851, %swap3A_852] {strides = array<i32>} : memref<64x512xf32, #tpu.memory_space<vmem>>, vector<16xf32>,
      tpu.vector_store %arg6[%swap3A_851, %swap3A_852], %broadcast_in_dim3A_3 {strides = array<i32>} : memref<64x512xf32, #tpu.memory_space<vmem>>, vector<16xf32>,
      %mul3A_854 = arith.constant 16 : i32
      %mul3A_855 = arith.muli %scan3A_133, %mul3A_854 : i32
      %swap3A_856 = arith.constant 60 : i32
      %swap3A_857 = arith.index_cast %swap3A_856 : i32 to index
      %swap3A_858 = arith.index_cast %mul3A_855 : i32 to index
      %swap3A_859 = tpu.vector_load %arg5[%swap3A_857, %swap3A_858] {strides = array<i32>} : memref<64x512xf32, #tpu.memory_space<vmem>>, vector<16xf32>,
      tpu.vector_store %arg5[%swap3A_857, %swap3A_858], %broadcast_in_dim3A_3 {strides = array<i32>} : memref<64x512xf32, #tpu.memory_space<vmem>>, vector<16xf32>,
      %mul3A_860 = arith.constant 16 : i32
      %mul3A_861 = arith.muli %scan3A_133, %mul3A_860 : i32
      %swap3A_862 = arith.constant 60 : i32
      %swap3A_863 = arith.index_cast %swap3A_862 : i32 to index
      %swap3A_864 = arith.index_cast %mul3A_861 : i32 to index
      %swap3A_865 = tpu.vector_load %arg6[%swap3A_863, %swap3A_864] {strides = array<i32>} : memref<64x512xf32, #tpu.memory_space<vmem>>, vector<16xf32>,
      tpu.vector_store %arg6[%swap3A_863, %swap3A_864], %broadcast_in_dim3A_3 {strides = array<i32>} : memref<64x512xf32, #tpu.memory_space<vmem>>, vector<16xf32>,
      %mul3A_866 = arith.constant 16 : i32
      %mul3A_867 = arith.muli %scan3A_133, %mul3A_866 : i32
      %swap3A_868 = arith.constant 61 : i32
      %swap3A_869 = arith.index_cast %swap3A_868 : i32 to index
      %swap3A_870 = arith.index_cast %mul3A_867 : i32 to index
      %swap3A_871 = tpu.vector_load %arg5[%swap3A_869, %swap3A_870] {strides = array<i32>} : memref<64x512xf32, #tpu.memory_space<vmem>>, vector<16xf32>,
      tpu.vector_store %arg5[%swap3A_869, %swap3A_870], %broadcast_in_dim3A_3 {strides = array<i32>} : memref<64x512xf32, #tpu.memory_space<vmem>>, vector<16xf32>,
      %mul3A_872 = arith.constant 16 : i32
      %mul3A_873 = arith.muli %scan3A_133, %mul3A_872 : i32
      %swap3A_874 = arith.constant 61 : i32
      %swap3A_875 = arith.index_cast %swap3A_874 : i32 to index
      %swap3A_876 = arith.index_cast %mul3A_873 : i32 to index
      %swap3A_877 = tpu.vector_load %arg6[%swap3A_875, %swap3A_876] {strides = array<i32>} : memref<64x512xf32, #tpu.memory_space<vmem>>, vector<16xf32>,
      tpu.vector_store %arg6[%swap3A_875, %swap3A_876], %broadcast_in_dim3A_3 {strides = array<i32>} : memref<64x512xf32, #tpu.memory_space<vmem>>, vector<16xf32>,
      %mul3A_878 = arith.constant 16 : i32
      %mul3A_879 = arith.muli %scan3A_133, %mul3A_878 : i32
      %swap3A_880 = arith.constant 62 : i32
      %swap3A_881 = arith.index_cast %swap3A_880 : i32 to index
      %swap3A_882 = arith.index_cast %mul3A_879 : i32 to index
      %swap3A_883 = tpu.vector_load %arg5[%swap3A_881, %swap3A_882] {strides = array<i32>} : memref<64x512xf32, #tpu.memory_space<vmem>>, vector<16xf32>,
      tpu.vector_store %arg5[%swap3A_881, %swap3A_882], %broadcast_in_dim3A_3 {strides = array<i32>} : memref<64x512xf32, #tpu.memory_space<vmem>>, vector<16xf32>,
      %mul3A_884 = arith.constant 16 : i32
      %mul3A_885 = arith.muli %scan3A_133, %mul3A_884 : i32
      %swap3A_886 = arith.constant 62 : i32
      %swap3A_887 = arith.index_cast %swap3A_886 : i32 to index
      %swap3A_888 = arith.index_cast %mul3A_885 : i32 to index
      %swap3A_889 = tpu.vector_load %arg6[%swap3A_887, %swap3A_888] {strides = array<i32>} : memref<64x512xf32, #tpu.memory_space<vmem>>, vector<16xf32>,
      tpu.vector_store %arg6[%swap3A_887, %swap3A_888], %broadcast_in_dim3A_3 {strides = array<i32>} : memref<64x512xf32, #tpu.memory_space<vmem>>, vector<16xf32>,
      %mul3A_890 = arith.constant 16 : i32
      %mul3A_891 = arith.muli %scan3A_133, %mul3A_890 : i32
      %swap3A_892 = arith.constant 63 : i32
      %swap3A_893 = arith.index_cast %swap3A_892 : i32 to index
      %swap3A_894 = arith.index_cast %mul3A_891 : i32 to index
      %swap3A_895 = tpu.vector_load %arg5[%swap3A_893, %swap3A_894] {strides = array<i32>} : memref<64x512xf32, #tpu.memory_space<vmem>>, vector<16xf32>,
      tpu.vector_store %arg5[%swap3A_893, %swap3A_894], %broadcast_in_dim3A_3 {strides = array<i32>} : memref<64x512xf32, #tpu.memory_space<vmem>>, vector<16xf32>,
      %mul3A_896 = arith.constant 16 : i32
      %mul3A_897 = arith.muli %scan3A_133, %mul3A_896 : i32
      %swap3A_898 = arith.constant 63 : i32
      %swap3A_899 = arith.index_cast %swap3A_898 : i32 to index
      %swap3A_900 = arith.index_cast %mul3A_897 : i32 to index
      %swap3A_901 = tpu.vector_load %arg6[%swap3A_899, %swap3A_900] {strides = array<i32>} : memref<64x512xf32, #tpu.memory_space<vmem>>, vector<16xf32>,
      tpu.vector_store %arg6[%swap3A_899, %swap3A_900], %broadcast_in_dim3A_3 {strides = array<i32>} : memref<64x512xf32, #tpu.memory_space<vmem>>, vector<16xf32>,
      %scan3A_902 = arith.constant 0 : i32
      scf.yield %scan3A_902 : i32
    }
    %scan3A_11 = arith.constant 32 : i32
    %scan3A_12 = arith.constant 0 : i32
    %scan3A_13 = arith.constant -2 : i32
    %scan3A_14 = arith.constant 0 : i32
    %scan3A_15 = arith.constant 0 : i32
    %scan3A_16 = arith.constant 32 : i32
    %scan3A_17 = arith.addi %scan3A_15, %scan3A_16 : i32
    %scan3A_18 = arith.constant 1 : i32
    %scan3A_19 = scf.for %scan3A_133 = %scan3A_15 to %scan3A_17 step %scan3A_18 iter_args(%scan3A_134 = %scan3A_14) -> (i32)  : i32 {
      %mul3A_135 = arith.constant 16 : i32
      %mul3A_136 = arith.muli %scan3A_133, %mul3A_135 : i32
      %get3A = arith.index_cast %mul3A_136 : i32 to index
      %get3A_137 = tpu.vector_load %arg4[%get3A] {strides = array<i32>} : memref<512xi32, #tpu.memory_space<vmem>>, vector<16xi32>,
      %mul3A_138 = arith.constant 16 : i32
      %mul3A_139 = arith.muli %scan3A_133, %mul3A_138 : i32
      %add3A_140 = vector.broadcast %mul3A_139 : i32 to vector<16xi32>
      %add3A_141 = arith.addi %add3A_140, %iota3A : vector<16xi32>
      %mul3A_142 = arith.constant 64 : i32
      %mul3A_143 = arith.muli %scan3A_12, %mul3A_142 : i32
      %sub3A = vector.broadcast %mul3A_143 : i32 to vector<16xi32>
      %sub3A_144 = arith.subi %get3A_137, %sub3A : vector<16xi32>
      %jit3A = arith.constant 0 : i32
      %jit3A_145 = arith.constant 63 : i32
      %max3A = vector.broadcast %jit3A : i32 to vector<16xi32>
      %max3A_146 = arith.maxsi %max3A, %sub3A_144 : vector<16xi32>
      %min3A = vector.broadcast %jit3A_145 : i32 to vector<16xi32>
      %min3A_147 = arith.minsi %min3A, %max3A_146 : vector<16xi32>
      %ge3A = arith.constant 0 : i32
      %ge3A_148 = vector.broadcast %ge3A : i32 to vector<16xi32>
      %ge3A_149 = arith.cmpi sge, %sub3A_144, %ge3A_148 : vector<16xi32>
      %lt3A = arith.constant 64 : i32
      %lt3A_150 = vector.broadcast %lt3A : i32 to vector<16xi32>
      %lt3A_151 = arith.cmpi slt, %sub3A_144, %lt3A_150 : vector<16xi32>
      %and3A = arith.andi %ge3A_149, %lt3A_151 : vector<16xi1>
      tpu.vector_store_idx %arg5[%min3A_147, %add3A_141], %broadcast_in_dim3A_5 masked %and3A : memref<64x512xf32, #tpu.memory_space<vmem>>[vector<16xi32>, vector<16xi32>], vector<16xf32>, vector<16xi1>
      %mul3A_152 = arith.constant 64 : i32
      %mul3A_153 = arith.muli %scan3A_13, %mul3A_152 : i32
      %sub3A_154 = vector.broadcast %mul3A_153 : i32 to vector<16xi32>
      %sub3A_155 = arith.subi %get3A_137, %sub3A_154 : vector<16xi32>
      %jit3A_156 = arith.constant 0 : i32
      %jit3A_157 = arith.constant 63 : i32
      %max3A_158 = vector.broadcast %jit3A_156 : i32 to vector<16xi32>
      %max3A_159 = arith.maxsi %max3A_158, %sub3A_155 : vector<16xi32>
      %min3A_160 = vector.broadcast %jit3A_157 : i32 to vector<16xi32>
      %min3A_161 = arith.minsi %min3A_160, %max3A_159 : vector<16xi32>
      %ge3A_162 = arith.constant 0 : i32
      %ge3A_163 = vector.broadcast %ge3A_162 : i32 to vector<16xi32>
      %ge3A_164 = arith.cmpi sge, %sub3A_155, %ge3A_163 : vector<16xi32>
      %lt3A_165 = arith.constant 64 : i32
      %lt3A_166 = vector.broadcast %lt3A_165 : i32 to vector<16xi32>
      %lt3A_167 = arith.cmpi slt, %sub3A_155, %lt3A_166 : vector<16xi32>
      %and3A_168 = arith.andi %ge3A_164, %lt3A_167 : vector<16xi1>
      tpu.vector_store_idx %arg5[%min3A_161, %add3A_141], %broadcast_in_dim3A_3 masked %and3A_168 : memref<64x512xf32, #tpu.memory_space<vmem>>[vector<16xi32>, vector<16xi32>], vector<16xf32>, vector<16xi1>
      %scan3A_169 = arith.constant 0 : i32
      scf.yield %scan3A_169 : i32
    }
    %scan3A_20 = arith.constant 32 : i32
    %dma_start3A = arith.constant 0 : i32
    %dma_start3A_21 = arith.constant 0 : i32
    %dma_start3A_22 = tpu.memref_slice %arg5[%dma_start3A, %dma_start3A_21] : memref<64x512xf32, #tpu.memory_space<vmem>> -> memref<64x512xf32, #tpu.memory_space<vmem>>
    %dma_start3A_23 = arith.constant 0 : i32
    %dma_start3A_24 = tpu.memref_slice %arg3[%dma_start3A_23, %mul3A_2] : memref<10199x16384xf32, #tpu.memory_space<hbm>> -> memref<64x512xf32, #tpu.memory_space<hbm>>
    %dma_start3A_25 = arith.constant 0 : i32
    %dma_start3A_26 = tpu.memref_slice %arg3[%dma_start3A_25, %mul3A_2] : memref<10199x16384xf32, #tpu.memory_space<hbm>> -> memref<64x512xf32, #tpu.memory_space<hbm>>
    %dma_start3A_27 = arith.constant 0 : i32
    %dma_start3A_28 = arith.constant 0 : i32
    %dma_start3A_29 = tpu.memref_slice %arg5[%dma_start3A_27, %dma_start3A_28] : memref<64x512xf32, #tpu.memory_space<vmem>> -> memref<64x512xf32, #tpu.memory_space<vmem>>
    tpu.enqueue_dma source(%dma_start3A_29 : memref<64x512xf32, #tpu.memory_space<vmem>>) target(%dma_start3A_26 : memref<64x512xf32, #tpu.memory_space<hbm>>) target_semaphore(%arg7 : memref<!tpu.dma_semaphore, #tpu.memory_space<semaphore_mem>>)
    %scan3A_30 = arith.constant 1 : i32
    %scan3A_31 = arith.constant -1 : i32
    %scan3A_32 = arith.constant 0 : i32
    %scan3A_33 = arith.constant 0 : i32
    %scan3A_34 = arith.constant 32 : i32
    %scan3A_35 = arith.addi %scan3A_33, %scan3A_34 : i32
    %scan3A_36 = arith.constant 1 : i32
    %scan3A_37 = scf.for %scan3A_133 = %scan3A_33 to %scan3A_35 step %scan3A_36 iter_args(%scan3A_134 = %scan3A_32) -> (i32)  : i32 {
      %mul3A_135 = arith.constant 16 : i32
      %mul3A_136 = arith.muli %scan3A_133, %mul3A_135 : i32
      %get3A = arith.index_cast %mul3A_136 : i32 to index
      %get3A_137 = tpu.vector_load %arg4[%get3A] {strides = array<i32>} : memref<512xi32, #tpu.memory_space<vmem>>, vector<16xi32>,
      %mul3A_138 = arith.constant 16 : i32
      %mul3A_139 = arith.muli %scan3A_133, %mul3A_138 : i32
      %add3A_140 = vector.broadcast %mul3A_139 : i32 to vector<16xi32>
      %add3A_141 = arith.addi %add3A_140, %iota3A : vector<16xi32>
      %mul3A_142 = arith.constant 64 : i32
      %mul3A_143 = arith.muli %scan3A_30, %mul3A_142 : i32
      %sub3A = vector.broadcast %mul3A_143 : i32 to vector<16xi32>
      %sub3A_144 = arith.subi %get3A_137, %sub3A : vector<16xi32>
      %jit3A = arith.constant 0 : i32
      %jit3A_145 = arith.constant 63 : i32
      %max3A = vector.broadcast %jit3A : i32 to vector<16xi32>
      %max3A_146 = arith.maxsi %max3A, %sub3A_144 : vector<16xi32>
      %min3A = vector.broadcast %jit3A_145 : i32 to vector<16xi32>
      %min3A_147 = arith.minsi %min3A, %max3A_146 : vector<16xi32>
      %ge3A = arith.constant 0 : i32
      %ge3A_148 = vector.broadcast %ge3A : i32 to vector<16xi32>
      %ge3A_149 = arith.cmpi sge, %sub3A_144, %ge3A_148 : vector<16xi32>
      %lt3A = arith.constant 64 : i32
      %lt3A_150 = vector.broadcast %lt3A : i32 to vector<16xi32>
      %lt3A_151 = arith.cmpi slt, %sub3A_144, %lt3A_150 : vector<16xi32>
      %and3A = arith.andi %ge3A_149, %lt3A_151 : vector<16xi1>
      tpu.vector_store_idx %arg6[%min3A_147, %add3A_141], %broadcast_in_dim3A_5 masked %and3A : memref<64x512xf32, #tpu.memory_space<vmem>>[vector<16xi32>, vector<16xi32>], vector<16xf32>, vector<16xi1>
      %mul3A_152 = arith.constant 64 : i32
      %mul3A_153 = arith.muli %scan3A_31, %mul3A_152 : i32
      %sub3A_154 = vector.broadcast %mul3A_153 : i32 to vector<16xi32>
      %sub3A_155 = arith.subi %get3A_137, %sub3A_154 : vector<16xi32>
      %jit3A_156 = arith.constant 0 : i32
      %jit3A_157 = arith.constant 63 : i32
      %max3A_158 = vector.broadcast %jit3A_156 : i32 to vector<16xi32>
      %max3A_159 = arith.maxsi %max3A_158, %sub3A_155 : vector<16xi32>
      %min3A_160 = vector.broadcast %jit3A_157 : i32 to vector<16xi32>
      %min3A_161 = arith.minsi %min3A_160, %max3A_159 : vector<16xi32>
      %ge3A_162 = arith.constant 0 : i32
      %ge3A_163 = vector.broadcast %ge3A_162 : i32 to vector<16xi32>
      %ge3A_164 = arith.cmpi sge, %sub3A_155, %ge3A_163 : vector<16xi32>
      %lt3A_165 = arith.constant 64 : i32
      %lt3A_166 = vector.broadcast %lt3A_165 : i32 to vector<16xi32>
      %lt3A_167 = arith.cmpi slt, %sub3A_155, %lt3A_166 : vector<16xi32>
      %and3A_168 = arith.andi %ge3A_164, %lt3A_167 : vector<16xi1>
      tpu.vector_store_idx %arg6[%min3A_161, %add3A_141], %broadcast_in_dim3A_3 masked %and3A_168 : memref<64x512xf32, #tpu.memory_space<vmem>>[vector<16xi32>, vector<16xi32>], vector<16xf32>, vector<16xi1>
      %scan3A_169 = arith.constant 0 : i32
      scf.yield %scan3A_169 : i32
    }
    %scan3A_38 = arith.constant 32 : i32
    %dma_start3A_39 = arith.constant 0 : i32
    %dma_start3A_40 = arith.constant 0 : i32
    %dma_start3A_41 = tpu.memref_slice %arg6[%dma_start3A_39, %dma_start3A_40] : memref<64x512xf32, #tpu.memory_space<vmem>> -> memref<64x512xf32, #tpu.memory_space<vmem>>
    %dma_start3A_42 = arith.constant 64 : i32
    %dma_start3A_43 = tpu.memref_slice %arg3[%dma_start3A_42, %mul3A_2] : memref<10199x16384xf32, #tpu.memory_space<hbm>> -> memref<64x512xf32, #tpu.memory_space<hbm>>
    %dma_start3A_44 = arith.constant 64 : i32
    %dma_start3A_45 = tpu.memref_slice %arg3[%dma_start3A_44, %mul3A_2] : memref<10199x16384xf32, #tpu.memory_space<hbm>> -> memref<64x512xf32, #tpu.memory_space<hbm>>
    %dma_start3A_46 = arith.constant 0 : i32
    %dma_start3A_47 = arith.constant 0 : i32
    %dma_start3A_48 = tpu.memref_slice %arg6[%dma_start3A_46, %dma_start3A_47] : memref<64x512xf32, #tpu.memory_space<vmem>> -> memref<64x512xf32, #tpu.memory_space<vmem>>
    tpu.enqueue_dma source(%dma_start3A_48 : memref<64x512xf32, #tpu.memory_space<vmem>>) target(%dma_start3A_45 : memref<64x512xf32, #tpu.memory_space<hbm>>) target_semaphore(%arg8 : memref<!tpu.dma_semaphore, #tpu.memory_space<semaphore_mem>>)
    %scan3A_49 = arith.constant 0 : i32
    %scan3A_50 = arith.constant 1 : i32
    %scan3A_51 = arith.constant 78 : i32
    %scan3A_52 = arith.addi %scan3A_50, %scan3A_51 : i32
    %scan3A_53 = arith.constant 1 : i32
    %scan3A_54 = scf.for %scan3A_133 = %scan3A_50 to %scan3A_52 step %scan3A_53 iter_args(%scan3A_134 = %scan3A_49) -> (i32)  : i32 {
      %mul3A_135 = arith.constant 2 : i32
      %mul3A_136 = arith.muli %mul3A_135, %scan3A_133 : i32
      %sub3A = arith.constant 2 : i32
      %sub3A_137 = arith.subi %mul3A_136, %sub3A : i32
      %mul3A_138 = arith.constant 64 : i32
      %mul3A_139 = arith.muli %sub3A_137, %mul3A_138 : i32
      %dma_wait3A_140 = arith.constant 0 : i32
      %dma_wait3A_141 = arith.constant 0 : i32
      %dma_wait3A_142 = tpu.memref_slice %arg5[%dma_wait3A_140, %dma_wait3A_141] : memref<64x512xf32, #tpu.memory_space<vmem>> -> memref<64x512xf32, #tpu.memory_space<vmem>>
      %dma_wait3A_143 = tpu.memref_slice %arg3[%mul3A_139, %mul3A_2] : memref<10199x16384xf32, #tpu.memory_space<hbm>> -> memref<64x512xf32, #tpu.memory_space<hbm>>
      %dma_wait3A_144 = tpu.memref_slice %arg3[%mul3A_139, %mul3A_2] : memref<10199x16384xf32, #tpu.memory_space<hbm>> -> memref<64x512xf32, #tpu.memory_space<hbm>>
      %dma_wait3A_145 = arith.constant 0 : i32
      %dma_wait3A_146 = arith.constant 0 : i32
      %dma_wait3A_147 = tpu.memref_slice %arg5[%dma_wait3A_145, %dma_wait3A_146] : memref<64x512xf32, #tpu.memory_space<vmem>> -> memref<64x512xf32, #tpu.memory_space<vmem>>
      tpu.wait_dma2 semaphore(%arg7 : memref<!tpu.dma_semaphore, #tpu.memory_space<semaphore_mem>>) src(%dma_wait3A_147 : memref<64x512xf32, #tpu.memory_space<vmem>>) dst(%dma_wait3A_144 : memref<64x512xf32, #tpu.memory_space<hbm>>)
      %sub3A_148 = arith.constant 2 : i32
      %sub3A_149 = arith.subi %mul3A_136, %sub3A_148 : i32
      %scan3A_150 = arith.constant 0 : i32
      %scan3A_151 = arith.constant 0 : i32
      %scan3A_152 = arith.constant 32 : i32
      %scan3A_153 = arith.addi %scan3A_151, %scan3A_152 : i32
      %scan3A_154 = arith.constant 1 : i32
      %scan3A_155 = scf.for %scan3A_203 = %scan3A_151 to %scan3A_153 step %scan3A_154 iter_args(%scan3A_204 = %scan3A_150) -> (i32)  : i32 {
        %mul3A_205 = arith.constant 16 : i32
        %mul3A_206 = arith.muli %scan3A_203, %mul3A_205 : i32
        %get3A = arith.index_cast %mul3A_206 : i32 to index
        %get3A_207 = tpu.vector_load %arg4[%get3A] {strides = array<i32>} : memref<512xi32, #tpu.memory_space<vmem>>, vector<16xi32>,
        %mul3A_208 = arith.constant 16 : i32
        %mul3A_209 = arith.muli %scan3A_203, %mul3A_208 : i32
        %add3A_210 = vector.broadcast %mul3A_209 : i32 to vector<16xi32>
        %add3A_211 = arith.addi %add3A_210, %iota3A : vector<16xi32>
        %mul3A_212 = arith.constant 64 : i32
        %mul3A_213 = arith.muli %mul3A_136, %mul3A_212 : i32
        %sub3A_214 = vector.broadcast %mul3A_213 : i32 to vector<16xi32>
        %sub3A_215 = arith.subi %get3A_207, %sub3A_214 : vector<16xi32>
        %jit3A = arith.constant 0 : i32
        %jit3A_216 = arith.constant 63 : i32
        %max3A = vector.broadcast %jit3A : i32 to vector<16xi32>
        %max3A_217 = arith.maxsi %max3A, %sub3A_215 : vector<16xi32>
        %min3A = vector.broadcast %jit3A_216 : i32 to vector<16xi32>
        %min3A_218 = arith.minsi %min3A, %max3A_217 : vector<16xi32>
        %ge3A = arith.constant 0 : i32
        %ge3A_219 = vector.broadcast %ge3A : i32 to vector<16xi32>
        %ge3A_220 = arith.cmpi sge, %sub3A_215, %ge3A_219 : vector<16xi32>
        %lt3A = arith.constant 64 : i32
        %lt3A_221 = vector.broadcast %lt3A : i32 to vector<16xi32>
        %lt3A_222 = arith.cmpi slt, %sub3A_215, %lt3A_221 : vector<16xi32>
        %and3A = arith.andi %ge3A_220, %lt3A_222 : vector<16xi1>
        tpu.vector_store_idx %arg5[%min3A_218, %add3A_211], %broadcast_in_dim3A_5 masked %and3A : memref<64x512xf32, #tpu.memory_space<vmem>>[vector<16xi32>, vector<16xi32>], vector<16xf32>, vector<16xi1>
        %mul3A_223 = arith.constant 64 : i32
        %mul3A_224 = arith.muli %sub3A_149, %mul3A_223 : i32
        %sub3A_225 = vector.broadcast %mul3A_224 : i32 to vector<16xi32>
        %sub3A_226 = arith.subi %get3A_207, %sub3A_225 : vector<16xi32>
        %jit3A_227 = arith.constant 0 : i32
        %jit3A_228 = arith.constant 63 : i32
        %max3A_229 = vector.broadcast %jit3A_227 : i32 to vector<16xi32>
        %max3A_230 = arith.maxsi %max3A_229, %sub3A_226 : vector<16xi32>
        %min3A_231 = vector.broadcast %jit3A_228 : i32 to vector<16xi32>
        %min3A_232 = arith.minsi %min3A_231, %max3A_230 : vector<16xi32>
        %ge3A_233 = arith.constant 0 : i32
        %ge3A_234 = vector.broadcast %ge3A_233 : i32 to vector<16xi32>
        %ge3A_235 = arith.cmpi sge, %sub3A_226, %ge3A_234 : vector<16xi32>
        %lt3A_236 = arith.constant 64 : i32
        %lt3A_237 = vector.broadcast %lt3A_236 : i32 to vector<16xi32>
        %lt3A_238 = arith.cmpi slt, %sub3A_226, %lt3A_237 : vector<16xi32>
        %and3A_239 = arith.andi %ge3A_235, %lt3A_238 : vector<16xi1>
        tpu.vector_store_idx %arg5[%min3A_232, %add3A_211], %broadcast_in_dim3A_3 masked %and3A_239 : memref<64x512xf32, #tpu.memory_space<vmem>>[vector<16xi32>, vector<16xi32>], vector<16xf32>, vector<16xi1>
        %scan3A_240 = arith.constant 0 : i32
        scf.yield %scan3A_240 : i32
      }
      %scan3A_156 = arith.constant 32 : i32
      %mul3A_157 = arith.constant 64 : i32
      %mul3A_158 = arith.muli %mul3A_136, %mul3A_157 : i32
      %dma_start3A_159 = arith.constant 0 : i32
      %dma_start3A_160 = arith.constant 0 : i32
      %dma_start3A_161 = tpu.memref_slice %arg5[%dma_start3A_159, %dma_start3A_160] : memref<64x512xf32, #tpu.memory_space<vmem>> -> memref<64x512xf32, #tpu.memory_space<vmem>>
      %dma_start3A_162 = tpu.memref_slice %arg3[%mul3A_158, %mul3A_2] : memref<10199x16384xf32, #tpu.memory_space<hbm>> -> memref<64x512xf32, #tpu.memory_space<hbm>>
      %dma_start3A_163 = tpu.memref_slice %arg3[%mul3A_158, %mul3A_2] : memref<10199x16384xf32, #tpu.memory_space<hbm>> -> memref<64x512xf32, #tpu.memory_space<hbm>>
      %dma_start3A_164 = arith.constant 0 : i32
      %dma_start3A_165 = arith.constant 0 : i32
      %dma_start3A_166 = tpu.memref_slice %arg5[%dma_start3A_164, %dma_start3A_165] : memref<64x512xf32, #tpu.memory_space<vmem>> -> memref<64x512xf32, #tpu.memory_space<vmem>>
      tpu.enqueue_dma source(%dma_start3A_166 : memref<64x512xf32, #tpu.memory_space<vmem>>) target(%dma_start3A_163 : memref<64x512xf32, #tpu.memory_space<hbm>>) target_semaphore(%arg7 : memref<!tpu.dma_semaphore, #tpu.memory_space<semaphore_mem>>)
      %sub3A_167 = arith.constant 1 : i32
      %sub3A_168 = arith.subi %mul3A_136, %sub3A_167 : i32
      %mul3A_169 = arith.constant 64 : i32
      %mul3A_170 = arith.muli %sub3A_168, %mul3A_169 : i32
      %dma_wait3A_171 = arith.constant 0 : i32
      %dma_wait3A_172 = arith.constant 0 : i32
      %dma_wait3A_173 = tpu.memref_slice %arg6[%dma_wait3A_171, %dma_wait3A_172] : memref<64x512xf32, #tpu.memory_space<vmem>> -> memref<64x512xf32, #tpu.memory_space<vmem>>
      %dma_wait3A_174 = tpu.memref_slice %arg3[%mul3A_170, %mul3A_2] : memref<10199x16384xf32, #tpu.memory_space<hbm>> -> memref<64x512xf32, #tpu.memory_space<hbm>>
      %dma_wait3A_175 = tpu.memref_slice %arg3[%mul3A_170, %mul3A_2] : memref<10199x16384xf32, #tpu.memory_space<hbm>> -> memref<64x512xf32, #tpu.memory_space<hbm>>
      %dma_wait3A_176 = arith.constant 0 : i32
      %dma_wait3A_177 = arith.constant 0 : i32
      %dma_wait3A_178 = tpu.memref_slice %arg6[%dma_wait3A_176, %dma_wait3A_177] : memref<64x512xf32, #tpu.memory_space<vmem>> -> memref<64x512xf32, #tpu.memory_space<vmem>>
      tpu.wait_dma2 semaphore(%arg8 : memref<!tpu.dma_semaphore, #tpu.memory_space<semaphore_mem>>) src(%dma_wait3A_178 : memref<64x512xf32, #tpu.memory_space<vmem>>) dst(%dma_wait3A_175 : memref<64x512xf32, #tpu.memory_space<hbm>>)
      %add3A_179 = arith.constant 1 : i32
      %add3A_180 = arith.addi %mul3A_136, %add3A_179 : i32
      %sub3A_181 = arith.constant 1 : i32
      %sub3A_182 = arith.subi %mul3A_136, %sub3A_181 : i32
      %scan3A_183 = arith.constant 0 : i32
      %scan3A_184 = arith.constant 0 : i32
      %scan3A_185 = arith.constant 32 : i32
      %scan3A_186 = arith.addi %scan3A_184, %scan3A_185 : i32
      %scan3A_187 = arith.constant 1 : i32
      %scan3A_188 = scf.for %scan3A_203 = %scan3A_184 to %scan3A_186 step %scan3A_187 iter_args(%scan3A_204 = %scan3A_183) -> (i32)  : i32 {
        %mul3A_205 = arith.constant 16 : i32
        %mul3A_206 = arith.muli %scan3A_203, %mul3A_205 : i32
        %get3A = arith.index_cast %mul3A_206 : i32 to index
        %get3A_207 = tpu.vector_load %arg4[%get3A] {strides = array<i32>} : memref<512xi32, #tpu.memory_space<vmem>>, vector<16xi32>,
        %mul3A_208 = arith.constant 16 : i32
        %mul3A_209 = arith.muli %scan3A_203, %mul3A_208 : i32
        %add3A_210 = vector.broadcast %mul3A_209 : i32 to vector<16xi32>
        %add3A_211 = arith.addi %add3A_210, %iota3A : vector<16xi32>
        %mul3A_212 = arith.constant 64 : i32
        %mul3A_213 = arith.muli %add3A_180, %mul3A_212 : i32
        %sub3A_214 = vector.broadcast %mul3A_213 : i32 to vector<16xi32>
        %sub3A_215 = arith.subi %get3A_207, %sub3A_214 : vector<16xi32>
        %jit3A = arith.constant 0 : i32
        %jit3A_216 = arith.constant 63 : i32
        %max3A = vector.broadcast %jit3A : i32 to vector<16xi32>
        %max3A_217 = arith.maxsi %max3A, %sub3A_215 : vector<16xi32>
        %min3A = vector.broadcast %jit3A_216 : i32 to vector<16xi32>
        %min3A_218 = arith.minsi %min3A, %max3A_217 : vector<16xi32>
        %ge3A = arith.constant 0 : i32
        %ge3A_219 = vector.broadcast %ge3A : i32 to vector<16xi32>
        %ge3A_220 = arith.cmpi sge, %sub3A_215, %ge3A_219 : vector<16xi32>
        %lt3A = arith.constant 64 : i32
        %lt3A_221 = vector.broadcast %lt3A : i32 to vector<16xi32>
        %lt3A_222 = arith.cmpi slt, %sub3A_215, %lt3A_221 : vector<16xi32>
        %and3A = arith.andi %ge3A_220, %lt3A_222 : vector<16xi1>
        tpu.vector_store_idx %arg6[%min3A_218, %add3A_211], %broadcast_in_dim3A_5 masked %and3A : memref<64x512xf32, #tpu.memory_space<vmem>>[vector<16xi32>, vector<16xi32>], vector<16xf32>, vector<16xi1>
        %mul3A_223 = arith.constant 64 : i32
        %mul3A_224 = arith.muli %sub3A_182, %mul3A_223 : i32
        %sub3A_225 = vector.broadcast %mul3A_224 : i32 to vector<16xi32>
        %sub3A_226 = arith.subi %get3A_207, %sub3A_225 : vector<16xi32>
        %jit3A_227 = arith.constant 0 : i32
        %jit3A_228 = arith.constant 63 : i32
        %max3A_229 = vector.broadcast %jit3A_227 : i32 to vector<16xi32>
        %max3A_230 = arith.maxsi %max3A_229, %sub3A_226 : vector<16xi32>
        %min3A_231 = vector.broadcast %jit3A_228 : i32 to vector<16xi32>
        %min3A_232 = arith.minsi %min3A_231, %max3A_230 : vector<16xi32>
        %ge3A_233 = arith.constant 0 : i32
        %ge3A_234 = vector.broadcast %ge3A_233 : i32 to vector<16xi32>
        %ge3A_235 = arith.cmpi sge, %sub3A_226, %ge3A_234 : vector<16xi32>
        %lt3A_236 = arith.constant 64 : i32
        %lt3A_237 = vector.broadcast %lt3A_236 : i32 to vector<16xi32>
        %lt3A_238 = arith.cmpi slt, %sub3A_226, %lt3A_237 : vector<16xi32>
        %and3A_239 = arith.andi %ge3A_235, %lt3A_238 : vector<16xi1>
        tpu.vector_store_idx %arg6[%min3A_232, %add3A_211], %broadcast_in_dim3A_3 masked %and3A_239 : memref<64x512xf32, #tpu.memory_space<vmem>>[vector<16xi32>, vector<16xi32>], vector<16xf32>, vector<16xi1>
        %scan3A_240 = arith.constant 0 : i32
        scf.yield %scan3A_240 : i32
      }
      %scan3A_189 = arith.constant 32 : i32
      %add3A_190 = arith.constant 1 : i32
      %add3A_191 = arith.addi %mul3A_136, %add3A_190 : i32
      %mul3A_192 = arith.constant 64 : i32
      %mul3A_193 = arith.muli %add3A_191, %mul3A_192 : i32
      %dma_start3A_194 = arith.constant 0 : i32
      %dma_start3A_195 = arith.constant 0 : i32
      %dma_start3A_196 = tpu.memref_slice %arg6[%dma_start3A_194, %dma_start3A_195] : memref<64x512xf32, #tpu.memory_space<vmem>> -> memref<64x512xf32, #tpu.memory_space<vmem>>
      %dma_start3A_197 = tpu.memref_slice %arg3[%mul3A_193, %mul3A_2] : memref<10199x16384xf32, #tpu.memory_space<hbm>> -> memref<64x512xf32, #tpu.memory_space<hbm>>
      %dma_start3A_198 = tpu.memref_slice %arg3[%mul3A_193, %mul3A_2] : memref<10199x16384xf32, #tpu.memory_space<hbm>> -> memref<64x512xf32, #tpu.memory_space<hbm>>
      %dma_start3A_199 = arith.constant 0 : i32
      %dma_start3A_200 = arith.constant 0 : i32
      %dma_start3A_201 = tpu.memref_slice %arg6[%dma_start3A_199, %dma_start3A_200] : memref<64x512xf32, #tpu.memory_space<vmem>> -> memref<64x512xf32, #tpu.memory_space<vmem>>
      tpu.enqueue_dma source(%dma_start3A_201 : memref<64x512xf32, #tpu.memory_space<vmem>>) target(%dma_start3A_198 : memref<64x512xf32, #tpu.memory_space<hbm>>) target_semaphore(%arg8 : memref<!tpu.dma_semaphore, #tpu.memory_space<semaphore_mem>>)
      %scan3A_202 = arith.constant 0 : i32
      scf.yield %scan3A_202 : i32
    }
    %scan3A_55 = arith.constant 78 : i32
    %dma_wait3A = arith.constant 0 : i32
    %dma_wait3A_56 = arith.constant 0 : i32
    %dma_wait3A_57 = tpu.memref_slice %arg5[%dma_wait3A, %dma_wait3A_56] : memref<64x512xf32, #tpu.memory_space<vmem>> -> memref<64x512xf32, #tpu.memory_space<vmem>>
    %dma_wait3A_58 = arith.constant 9984 : i32
    %dma_wait3A_59 = tpu.memref_slice %arg3[%dma_wait3A_58, %mul3A_2] : memref<10199x16384xf32, #tpu.memory_space<hbm>> -> memref<64x512xf32, #tpu.memory_space<hbm>>
    %dma_wait3A_60 = arith.constant 9984 : i32
    %dma_wait3A_61 = tpu.memref_slice %arg3[%dma_wait3A_60, %mul3A_2] : memref<10199x16384xf32, #tpu.memory_space<hbm>> -> memref<64x512xf32, #tpu.memory_space<hbm>>
    %dma_wait3A_62 = arith.constant 0 : i32
    %dma_wait3A_63 = arith.constant 0 : i32
    %dma_wait3A_64 = tpu.memref_slice %arg5[%dma_wait3A_62, %dma_wait3A_63] : memref<64x512xf32, #tpu.memory_space<vmem>> -> memref<64x512xf32, #tpu.memory_space<vmem>>
    tpu.wait_dma2 semaphore(%arg7 : memref<!tpu.dma_semaphore, #tpu.memory_space<semaphore_mem>>) src(%dma_wait3A_64 : memref<64x512xf32, #tpu.memory_space<vmem>>) dst(%dma_wait3A_61 : memref<64x512xf32, #tpu.memory_space<hbm>>)
    %scan3A_65 = arith.constant 158 : i32
    %scan3A_66 = arith.constant 156 : i32
    %scan3A_67 = arith.constant 0 : i32
    %scan3A_68 = arith.constant 0 : i32
    %scan3A_69 = arith.constant 32 : i32
    %scan3A_70 = arith.addi %scan3A_68, %scan3A_69 : i32
    %scan3A_71 = arith.constant 1 : i32
    %scan3A_72 = scf.for %scan3A_133 = %scan3A_68 to %scan3A_70 step %scan3A_71 iter_args(%scan3A_134 = %scan3A_67) -> (i32)  : i32 {
      %mul3A_135 = arith.constant 16 : i32
      %mul3A_136 = arith.muli %scan3A_133, %mul3A_135 : i32
      %get3A = arith.index_cast %mul3A_136 : i32 to index
      %get3A_137 = tpu.vector_load %arg4[%get3A] {strides = array<i32>} : memref<512xi32, #tpu.memory_space<vmem>>, vector<16xi32>,
      %mul3A_138 = arith.constant 16 : i32
      %mul3A_139 = arith.muli %scan3A_133, %mul3A_138 : i32
      %add3A_140 = vector.broadcast %mul3A_139 : i32 to vector<16xi32>
      %add3A_141 = arith.addi %add3A_140, %iota3A : vector<16xi32>
      %mul3A_142 = arith.constant 64 : i32
      %mul3A_143 = arith.muli %scan3A_65, %mul3A_142 : i32
      %sub3A = vector.broadcast %mul3A_143 : i32 to vector<16xi32>
      %sub3A_144 = arith.subi %get3A_137, %sub3A : vector<16xi32>
      %jit3A = arith.constant 0 : i32
      %jit3A_145 = arith.constant 63 : i32
      %max3A = vector.broadcast %jit3A : i32 to vector<16xi32>
      %max3A_146 = arith.maxsi %max3A, %sub3A_144 : vector<16xi32>
      %min3A = vector.broadcast %jit3A_145 : i32 to vector<16xi32>
      %min3A_147 = arith.minsi %min3A, %max3A_146 : vector<16xi32>
      %ge3A = arith.constant 0 : i32
      %ge3A_148 = vector.broadcast %ge3A : i32 to vector<16xi32>
      %ge3A_149 = arith.cmpi sge, %sub3A_144, %ge3A_148 : vector<16xi32>
      %lt3A = arith.constant 64 : i32
      %lt3A_150 = vector.broadcast %lt3A : i32 to vector<16xi32>
      %lt3A_151 = arith.cmpi slt, %sub3A_144, %lt3A_150 : vector<16xi32>
      %and3A = arith.andi %ge3A_149, %lt3A_151 : vector<16xi1>
      tpu.vector_store_idx %arg5[%min3A_147, %add3A_141], %broadcast_in_dim3A_5 masked %and3A : memref<64x512xf32, #tpu.memory_space<vmem>>[vector<16xi32>, vector<16xi32>], vector<16xf32>, vector<16xi1>
      %mul3A_152 = arith.constant 64 : i32
      %mul3A_153 = arith.muli %scan3A_66, %mul3A_152 : i32
      %sub3A_154 = vector.broadcast %mul3A_153 : i32 to vector<16xi32>
      %sub3A_155 = arith.subi %get3A_137, %sub3A_154 : vector<16xi32>
      %jit3A_156 = arith.constant 0 : i32
      %jit3A_157 = arith.constant 63 : i32
      %max3A_158 = vector.broadcast %jit3A_156 : i32 to vector<16xi32>
      %max3A_159 = arith.maxsi %max3A_158, %sub3A_155 : vector<16xi32>
      %min3A_160 = vector.broadcast %jit3A_157 : i32 to vector<16xi32>
      %min3A_161 = arith.minsi %min3A_160, %max3A_159 : vector<16xi32>
      %ge3A_162 = arith.constant 0 : i32
      %ge3A_163 = vector.broadcast %ge3A_162 : i32 to vector<16xi32>
      %ge3A_164 = arith.cmpi sge, %sub3A_155, %ge3A_163 : vector<16xi32>
      %lt3A_165 = arith.constant 64 : i32
      %lt3A_166 = vector.broadcast %lt3A_165 : i32 to vector<16xi32>
      %lt3A_167 = arith.cmpi slt, %sub3A_155, %lt3A_166 : vector<16xi32>
      %and3A_168 = arith.andi %ge3A_164, %lt3A_167 : vector<16xi1>
      tpu.vector_store_idx %arg5[%min3A_161, %add3A_141], %broadcast_in_dim3A_3 masked %and3A_168 : memref<64x512xf32, #tpu.memory_space<vmem>>[vector<16xi32>, vector<16xi32>], vector<16xf32>, vector<16xi1>
      %scan3A_169 = arith.constant 0 : i32
      scf.yield %scan3A_169 : i32
    }
    %scan3A_73 = arith.constant 32 : i32
    %dma_start3A_74 = arith.constant 0 : i32
    %dma_start3A_75 = arith.constant 0 : i32
    %dma_start3A_76 = tpu.memref_slice %arg5[%dma_start3A_74, %dma_start3A_75] : memref<64x512xf32, #tpu.memory_space<vmem>> -> memref<64x512xf32, #tpu.memory_space<vmem>>
    %dma_start3A_77 = arith.constant 10112 : i32
    %dma_start3A_78 = tpu.memref_slice %arg3[%dma_start3A_77, %mul3A_2] : memref<10199x16384xf32, #tpu.memory_space<hbm>> -> memref<64x512xf32, #tpu.memory_space<hbm>>
    %dma_start3A_79 = arith.constant 10112 : i32
    %dma_start3A_80 = tpu.memref_slice %arg3[%dma_start3A_79, %mul3A_2] : memref<10199x16384xf32, #tpu.memory_space<hbm>> -> memref<64x512xf32, #tpu.memory_space<hbm>>
    %dma_start3A_81 = arith.constant 0 : i32
    %dma_start3A_82 = arith.constant 0 : i32
    %dma_start3A_83 = tpu.memref_slice %arg5[%dma_start3A_81, %dma_start3A_82] : memref<64x512xf32, #tpu.memory_space<vmem>> -> memref<64x512xf32, #tpu.memory_space<vmem>>
    tpu.enqueue_dma source(%dma_start3A_83 : memref<64x512xf32, #tpu.memory_space<vmem>>) target(%dma_start3A_80 : memref<64x512xf32, #tpu.memory_space<hbm>>) target_semaphore(%arg7 : memref<!tpu.dma_semaphore, #tpu.memory_space<semaphore_mem>>)
    %dma_wait3A_84 = arith.constant 0 : i32
    %dma_wait3A_85 = arith.constant 0 : i32
    %dma_wait3A_86 = tpu.memref_slice %arg6[%dma_wait3A_84, %dma_wait3A_85] : memref<64x512xf32, #tpu.memory_space<vmem>> -> memref<64x512xf32, #tpu.memory_space<vmem>>
    %dma_wait3A_87 = arith.constant 10048 : i32
    %dma_wait3A_88 = tpu.memref_slice %arg3[%dma_wait3A_87, %mul3A_2] : memref<10199x16384xf32, #tpu.memory_space<hbm>> -> memref<64x512xf32, #tpu.memory_space<hbm>>
    %dma_wait3A_89 = arith.constant 10048 : i32
    %dma_wait3A_90 = tpu.memref_slice %arg3[%dma_wait3A_89, %mul3A_2] : memref<10199x16384xf32, #tpu.memory_space<hbm>> -> memref<64x512xf32, #tpu.memory_space<hbm>>
    %dma_wait3A_91 = arith.constant 0 : i32
    %dma_wait3A_92 = arith.constant 0 : i32
    %dma_wait3A_93 = tpu.memref_slice %arg6[%dma_wait3A_91, %dma_wait3A_92] : memref<64x512xf32, #tpu.memory_space<vmem>> -> memref<64x512xf32, #tpu.memory_space<vmem>>
    tpu.wait_dma2 semaphore(%arg8 : memref<!tpu.dma_semaphore, #tpu.memory_space<semaphore_mem>>) src(%dma_wait3A_93 : memref<64x512xf32, #tpu.memory_space<vmem>>) dst(%dma_wait3A_90 : memref<64x512xf32, #tpu.memory_space<hbm>>)
    %scan3A_94 = arith.constant 159 : i32
    %scan3A_95 = arith.constant 157 : i32
    %scan3A_96 = arith.constant 0 : i32
    %scan3A_97 = arith.constant 0 : i32
    %scan3A_98 = arith.constant 32 : i32
    %scan3A_99 = arith.addi %scan3A_97, %scan3A_98 : i32
    %scan3A_100 = arith.constant 1 : i32
    %scan3A_101 = scf.for %scan3A_133 = %scan3A_97 to %scan3A_99 step %scan3A_100 iter_args(%scan3A_134 = %scan3A_96) -> (i32)  : i32 {
      %mul3A_135 = arith.constant 16 : i32
      %mul3A_136 = arith.muli %scan3A_133, %mul3A_135 : i32
      %get3A = arith.index_cast %mul3A_136 : i32 to index
      %get3A_137 = tpu.vector_load %arg4[%get3A] {strides = array<i32>} : memref<512xi32, #tpu.memory_space<vmem>>, vector<16xi32>,
      %mul3A_138 = arith.constant 16 : i32
      %mul3A_139 = arith.muli %scan3A_133, %mul3A_138 : i32
      %add3A_140 = vector.broadcast %mul3A_139 : i32 to vector<16xi32>
      %add3A_141 = arith.addi %add3A_140, %iota3A : vector<16xi32>
      %mul3A_142 = arith.constant 64 : i32
      %mul3A_143 = arith.muli %scan3A_94, %mul3A_142 : i32
      %sub3A = vector.broadcast %mul3A_143 : i32 to vector<16xi32>
      %sub3A_144 = arith.subi %get3A_137, %sub3A : vector<16xi32>
      %jit3A = arith.constant 0 : i32
      %jit3A_145 = arith.constant 63 : i32
      %max3A = vector.broadcast %jit3A : i32 to vector<16xi32>
      %max3A_146 = arith.maxsi %max3A, %sub3A_144 : vector<16xi32>
      %min3A = vector.broadcast %jit3A_145 : i32 to vector<16xi32>
      %min3A_147 = arith.minsi %min3A, %max3A_146 : vector<16xi32>
      %ge3A = arith.constant 0 : i32
      %ge3A_148 = vector.broadcast %ge3A : i32 to vector<16xi32>
      %ge3A_149 = arith.cmpi sge, %sub3A_144, %ge3A_148 : vector<16xi32>
      %lt3A = arith.constant 16 : i32
      %lt3A_150 = vector.broadcast %lt3A : i32 to vector<16xi32>
      %lt3A_151 = arith.cmpi slt, %sub3A_144, %lt3A_150 : vector<16xi32>
      %and3A = arith.andi %ge3A_149, %lt3A_151 : vector<16xi1>
      tpu.vector_store_idx %arg6[%min3A_147, %add3A_141], %broadcast_in_dim3A_5 masked %and3A : memref<64x512xf32, #tpu.memory_space<vmem>>[vector<16xi32>, vector<16xi32>], vector<16xf32>, vector<16xi1>
      %mul3A_152 = arith.constant 64 : i32
      %mul3A_153 = arith.muli %scan3A_95, %mul3A_152 : i32
      %sub3A_154 = vector.broadcast %mul3A_153 : i32 to vector<16xi32>
      %sub3A_155 = arith.subi %get3A_137, %sub3A_154 : vector<16xi32>
      %jit3A_156 = arith.constant 0 : i32
      %jit3A_157 = arith.constant 63 : i32
      %max3A_158 = vector.broadcast %jit3A_156 : i32 to vector<16xi32>
      %max3A_159 = arith.maxsi %max3A_158, %sub3A_155 : vector<16xi32>
      %min3A_160 = vector.broadcast %jit3A_157 : i32 to vector<16xi32>
      %min3A_161 = arith.minsi %min3A_160, %max3A_159 : vector<16xi32>
      %ge3A_162 = arith.constant 0 : i32
      %ge3A_163 = vector.broadcast %ge3A_162 : i32 to vector<16xi32>
      %ge3A_164 = arith.cmpi sge, %sub3A_155, %ge3A_163 : vector<16xi32>
      %lt3A_165 = arith.constant 64 : i32
      %lt3A_166 = vector.broadcast %lt3A_165 : i32 to vector<16xi32>
      %lt3A_167 = arith.cmpi slt, %sub3A_155, %lt3A_166 : vector<16xi32>
      %and3A_168 = arith.andi %ge3A_164, %lt3A_167 : vector<16xi1>
      tpu.vector_store_idx %arg6[%min3A_161, %add3A_141], %broadcast_in_dim3A_3 masked %and3A_168 : memref<64x512xf32, #tpu.memory_space<vmem>>[vector<16xi32>, vector<16xi32>], vector<16xf32>, vector<16xi1>
      %scan3A_169 = arith.constant 0 : i32
      scf.yield %scan3A_169 : i32
    }
    %scan3A_102 = arith.constant 32 : i32
    %dma_start3A_103 = arith.constant 0 : i32
    %dma_start3A_104 = arith.constant 0 : i32
    %dma_start3A_105 = tpu.memref_slice %arg6[%dma_start3A_103, %dma_start3A_104] : memref<64x512xf32, #tpu.memory_space<vmem>> -> memref<16x512xf32, #tpu.memory_space<vmem>>
    %dma_start3A_106 = arith.constant 10176 : i32
    %dma_start3A_107 = tpu.memref_slice %arg3[%dma_start3A_106, %mul3A_2] : memref<10199x16384xf32, #tpu.memory_space<hbm>> -> memref<16x512xf32, #tpu.memory_space<hbm>>
    %dma_start3A_108 = arith.constant 10176 : i32
    %dma_start3A_109 = tpu.memref_slice %arg3[%dma_start3A_108, %mul3A_2] : memref<10199x16384xf32, #tpu.memory_space<hbm>> -> memref<16x512xf32, #tpu.memory_space<hbm>>
    %dma_start3A_110 = arith.constant 0 : i32
    %dma_start3A_111 = arith.constant 0 : i32
    %dma_start3A_112 = tpu.memref_slice %arg6[%dma_start3A_110, %dma_start3A_111] : memref<64x512xf32, #tpu.memory_space<vmem>> -> memref<16x512xf32, #tpu.memory_space<vmem>>
    tpu.enqueue_dma source(%dma_start3A_112 : memref<16x512xf32, #tpu.memory_space<vmem>>) target(%dma_start3A_109 : memref<16x512xf32, #tpu.memory_space<hbm>>) target_semaphore(%arg8 : memref<!tpu.dma_semaphore, #tpu.memory_space<semaphore_mem>>)
    %dma_wait3A_113 = arith.constant 0 : i32
    %dma_wait3A_114 = arith.constant 0 : i32
    %dma_wait3A_115 = tpu.memref_slice %arg5[%dma_wait3A_113, %dma_wait3A_114] : memref<64x512xf32, #tpu.memory_space<vmem>> -> memref<64x512xf32, #tpu.memory_space<vmem>>
    %dma_wait3A_116 = arith.constant 10112 : i32
    %dma_wait3A_117 = tpu.memref_slice %arg3[%dma_wait3A_116, %mul3A_2] : memref<10199x16384xf32, #tpu.memory_space<hbm>> -> memref<64x512xf32, #tpu.memory_space<hbm>>
    %dma_wait3A_118 = arith.constant 10112 : i32
    %dma_wait3A_119 = tpu.memref_slice %arg3[%dma_wait3A_118, %mul3A_2] : memref<10199x16384xf32, #tpu.memory_space<hbm>> -> memref<64x512xf32, #tpu.memory_space<hbm>>
    %dma_wait3A_120 = arith.constant 0 : i32
    %dma_wait3A_121 = arith.constant 0 : i32
    %dma_wait3A_122 = tpu.memref_slice %arg5[%dma_wait3A_120, %dma_wait3A_121] : memref<64x512xf32, #tpu.memory_space<vmem>> -> memref<64x512xf32, #tpu.memory_space<vmem>>
    tpu.wait_dma2 semaphore(%arg7 : memref<!tpu.dma_semaphore, #tpu.memory_space<semaphore_mem>>) src(%dma_wait3A_122 : memref<64x512xf32, #tpu.memory_space<vmem>>) dst(%dma_wait3A_119 : memref<64x512xf32, #tpu.memory_space<hbm>>)
    %dma_wait3A_123 = arith.constant 0 : i32
    %dma_wait3A_124 = arith.constant 0 : i32
    %dma_wait3A_125 = tpu.memref_slice %arg6[%dma_wait3A_123, %dma_wait3A_124] : memref<64x512xf32, #tpu.memory_space<vmem>> -> memref<16x512xf32, #tpu.memory_space<vmem>>
    %dma_wait3A_126 = arith.constant 10176 : i32
    %dma_wait3A_127 = tpu.memref_slice %arg3[%dma_wait3A_126, %mul3A_2] : memref<10199x16384xf32, #tpu.memory_space<hbm>> -> memref<16x512xf32, #tpu.memory_space<hbm>>
    %dma_wait3A_128 = arith.constant 10176 : i32
    %dma_wait3A_129 = tpu.memref_slice %arg3[%dma_wait3A_128, %mul3A_2] : memref<10199x16384xf32, #tpu.memory_space<hbm>> -> memref<16x512xf32, #tpu.memory_space<hbm>>
    %dma_wait3A_130 = arith.constant 0 : i32
    %dma_wait3A_131 = arith.constant 0 : i32
    %dma_wait3A_132 = tpu.memref_slice %arg6[%dma_wait3A_130, %dma_wait3A_131] : memref<64x512xf32, #tpu.memory_space<vmem>> -> memref<16x512xf32, #tpu.memory_space<vmem>>
    tpu.wait_dma2 semaphore(%arg8 : memref<!tpu.dma_semaphore, #tpu.memory_space<semaphore_mem>>) src(%dma_wait3A_132 : memref<16x512xf32, #tpu.memory_space<vmem>>) dst(%dma_wait3A_129 : memref<16x512xf32, #tpu.memory_space<hbm>>)
    return
  }
}

module attributes {stable_mosaic.version = 14 : i64} {
  func.func @_tc_tail(%arg0: i32, %arg1: memref<8192xi32, #tpu.memory_space<vmem>>, %arg2: memref<10199x16384xf32, #tpu.memory_space<any>>, %arg3: memref<8x8192xf32, #tpu.memory_space<vmem>>) attributes {dimension_semantics = [#tpu.dimension_semantics<arbitrary>], iteration_bounds = array<i64: 2>, scalar_prefetch = 0 : i64, scratch_operands = 0 : i64, tpu.core_type = #tpu.core_type<tc>, window_params = [{transform_indices = @transform_0, window_bounds = array<i64: 8192>}, {}, {transform_indices = @transform_2, window_bounds = array<i64: 8, 8192>}]} {
    %get3A = arith.constant 0 : index
    %get3A_0 = vector.load %arg1[%get3A] : memref<8192xi32, #tpu.memory_space<vmem>>, vector<8192xi32>
    %iota3A = tpu.iota {dimensions = array<i32: 0>} : vector<8x8192xi32>
    %add3A = arith.constant 10192 : i32
    %add3A_1 = vector.broadcast %add3A : i32 to vector<8x8192xi32>
    %add3A_2 = arith.addi %add3A_1, %iota3A : vector<8x8192xi32>
    %broadcast_in_dim3A = vector.shape_cast %get3A_0 : vector<8192xi32> to vector<1x8192xi32>
    %eq3A = vector.broadcast %broadcast_in_dim3A : vector<1x8192xi32> to vector<8x8192xi32>
    %eq3A_3 = arith.cmpi eq, %add3A_2, %eq3A : vector<8x8192xi32>
    %convert_element_type3A = arith.extui %eq3A_3 : vector<8x8192xi1> to vector<8x8192xi32>
    %convert_element_type3A_4 = arith.sitofp %convert_element_type3A : vector<8x8192xi32> to vector<8x8192xf32>
    %swap3A = arith.constant 0 : index
    %swap3A_5 = arith.constant 0 : index
    %swap3A_6 = vector.load %arg3[%swap3A, %swap3A_5] : memref<8x8192xf32, #tpu.memory_space<vmem>>, vector<8x8192xf32>
    tpu.vector_store %arg3[%swap3A, %swap3A_5], %convert_element_type3A_4 {strides = array<i32>} : memref<8x8192xf32, #tpu.memory_space<vmem>>, vector<8x8192xf32>,
    return
  }
  func.func @transform_0(%arg0: i32) -> i32 {
    %c0_i32 = arith.constant 0 : i32
    return %arg0 : i32
  }
  func.func @transform_2(%arg0: i32) -> (i32, i32) {
    %c1274_i32 = arith.constant 1274 : i32
    %c0_i32 = arith.constant 0 : i32
    return %c1274_i32, %arg0 : i32, i32
  }
}

</mosaic_0001>

<sc_bundles>
// kernel: kernel.4.cloned.1.call-start
scs
__scs_entry_jumppad:
0x0: {  	(pc) =	sbr.rel $0x88, $3  }
0x1: {  	(tag) =	ssettag $0x0;
	lr =	simm.s32 $0x1  }
0x2: {  	[smem:$0x3FA0] =	sst lr;
	_ =	strace $0xD0000000  }
0x3: {  	_ = 	snop  }
0x4: {  	_ = 	snop  }
0x5: {  	_ = 	snop  }
0x6: {  	_ = 	snop  }
0x7: {  	_ = 	snop  }
__scs_overlays_trampoline_lowered:
0x8: {  	[smem:$0x3FAF] =	sst s0  }
0x9: {  	[smem:$0x3FB0] =	sst s1  }
0xa: {  	[smem:$0x3FB1] =	sst s2  }
0xb: {  	[smem:$0x3FB2] =	sst s3  }
0xc: {  	[smem:$0x3FB3] =	sst s4  }
0xd: {  	[smem:$0x3FB4] =	sst s5  }
0xe: {  	[smem:$0x3FB5] =	sst s6  }
0xf: {  	[smem:$0x3FB6] =	sst s7  }
0x10: {  	[smem:$0x3FB7] =	sst s8  }
0x11: {  	[smem:$0x3FB8] =	sst s9;
	s0 =	simm.s32 @!p0 $0x0  }
0x12: {  	s1 =	sld [smem:$0x3F9E];
	s0 =	simm.s32 @p0 $0x1  }
0x13: {  	[smem:$0x3FB9] =	sst s0;
	s0 =	simm.s32 @!p1 $0x0  }
0x14: {  	s2 =	sld [smem:$0x3F9D];
	s0 =	simm.s32 @p1 $0x1  }
0x15: {  	[smem:$0x3FBA] =	sst s0;
	s0 =	simm.s32 @!p2 $0x0  }
0x16: {  	s3 =	sld [smem:$0x3FDB];
	s0 =	simm.s32 @p2 $0x1  }
0x17: {  	s4 =	simm.s32 $0x1BF5;
	[smem:$0x3FBC] =	sst s0  }
0x18: {  	s0 =	sld [smem:$0x3F9F];
	_ =	swait.ge [sflag:s4], $0x0  }
0x19: {  	s7 =	sld [smem:$0x3FA0]  }
0x1a: {  	s8 =	sadd.s32 $0xFFFFE003, lr  }
0x1b: {  	s9 =	sadd.s32 $0xFFFFFEF7, lr;
	s5 =	simm.s32 $0xFFFFFFFF;
	p2 =	slt.u32 s8, $0xFFFFF086  }
0x1c: {  	p1 =	slt.u32 s9, $0xF7A;
	s5 =	simm.s32 @!p2 $0x0  }
0x1d: {  	s5 =	simm.s32 @p1 $0x1;
	p0 =	seq.s32 s7, s2  }
0x1e: {  	s7 =	smul.u32 @!p0 $0xF7A, s2;
	p2 =	seq.s32 @!p0 s5, $0x0  }
0x1f: {  	s9 =	smul.u32 $0xF7A, s1;
	s8 =	simm.s32 @!p0 $0x1BF5;
	p2 =	por !p2, p0  }
0x20: {  	[sflag:s8] =	ssyncset.s32 @!p0 $0xFFFFF086;
	s6 =	sadd.s32 @!p0 s3, s7;
	s7 =	simm.s32 @!p0 $0x108  }
0x21: {  	s3 =	sadd.s32 s3, s9;
	s6 =	sadd.s32 @!p0 $0x88, s6;
	s7 =	simm.s32 @p2 $0x1082  }
0x22: {  	[simem:s7], [sflag:s8] =	dma.local @!p0 [hbm:s6], $0xF7A  }
0x23: {  	s9 =	sor.u32 $0xD0000000, s2;
	s6 =	simm.s32 $0x108;
	_ =	swait.ge @!p0 [sflag:s8], $0x0  }
0x24: {  	s3 =	sadd.s32 $0x88, s3;
	s6 =	simm.s32 @!p1 $0x1082;
	[sflag:s4] =	ssyncset.s32 $0xFFFFF086  }
0x25: {  	[simem:s6], [sflag:s4] =	dma.local [hbm:s3], $0xF7A  }
0x26: {  	[smem:$0x3FA0] =	sst s1;
	(tag) =	ssettag s2;
	_ =	strace s9  }
0x27: {  	s1 =	sld [smem:$0x3FB0]  }
0x28: {  	s2 =	sld [smem:$0x3FB1]  }
0x29: {  	s4 =	sld [smem:$0x3FB3]  }
0x2a: {  	p0 =	seq.s32 s5, $0x0;
	s5 =	sld [smem:$0x3FB4]  }
0x2b: {  	s6 =	sld [smem:$0x3FB5]  }
0x2c: {  	s7 =	sld [smem:$0x3FB6]  }
0x2d: {  	s3 =	simm.s32 $0x108;
	s8 =	sld [smem:$0x3FB7]  }
0x2e: {  	s3 =	simm.s32 @!p0 $0x1082;
	s9 =	sld [smem:$0x3FB8]  }
0x2f: {  	lr =	sadd.s32 s0, s3;
	s0 =	sld [smem:$0x3FAF]  }
0x30: {  	s3 =	sld [smem:$0x3FB2]  }
0x31: {  	[smem:$0x3FBB] =	sst s10  }
0x32: {  	s10 =	sld [smem:$0x3FB9];
	_ =	sdelay $0x3  }
0x33: {  	p0 =	seq.s32 s10, $0x1;
	s10 =	sld [smem:$0x3FBB];
	_ =	sdelay $0x3  }
0x34: {  	[smem:$0x3FBB] =	sst s10  }
0x35: {  	s10 =	sld [smem:$0x3FBA];
	_ =	sdelay $0x3  }
0x36: {  	p1 =	seq.s32 s10, $0x1;
	s10 =	sld [smem:$0x3FBB];
	_ =	sdelay $0x3  }
0x37: {  	[smem:$0x3FBB] =	sst s10  }
0x38: {  	s10 =	sld [smem:$0x3FBC]  }
0x39: {  	_ = 	snop;
	(pc) =	sbr.ind lr, $3  }
0x3a: {  	_ = 	snop  }
0x3b: {  	_ = 	snop  }
0x3c: {  	p2 =	seq.s32 s10, $0x1;
	s10 =	sld [smem:$0x3FBB]  }
0x3d: {  	_ =	shalt  }
0x3e: {  	_ =	shalt  }
0x3f: {  	_ =	shalt  }
0x40: {  	_ =	shalt  }
0x41: {  	_ =	shalt  }
0x42: {  	_ =	shalt  }
0x43: {  	_ =	shalt  }
0x44: {  	_ =	shalt  }
0x45: {  	_ =	shalt  }
0x46: {  	_ =	shalt  }
0x47: {  	_ =	shalt  }
0x48: {  	_ =	shalt  }
0x49: {  	_ =	shalt  }
0x4a: {  	_ =	shalt  }
0x4b: {  	_ =	shalt  }
0x4c: {  	_ =	shalt  }
0x4d: {  	_ =	shalt  }
0x4e: {  	_ =	shalt  }
0x4f: {  	_ =	shalt  }
0x50: {  	_ =	shalt  }
0x51: {  	_ =	shalt  }
0x52: {  	_ =	shalt  }
0x53: {  	_ =	shalt  }
0x54: {  	_ =	shalt  }
0x55: {  	_ =	shalt  }
0x56: {  	_ =	shalt  }
0x57: {  	_ =	shalt  }
0x58: {  	_ =	shalt  }
0x59: {  	_ =	shalt  }
0x5a: {  	_ =	shalt  }
0x5b: {  	_ =	shalt  }
0x5c: {  	_ =	shalt  }
0x5d: {  	_ =	shalt  }
0x5e: {  	_ =	shalt  }
0x5f: {  	_ =	shalt  }
0x60: {  	_ =	shalt  }
0x61: {  	_ =	shalt  }
0x62: {  	_ =	shalt  }
0x63: {  	_ =	shalt  }
0x64: {  	_ =	shalt  }
0x65: {  	_ =	shalt  }
0x66: {  	_ =	shalt  }
0x67: {  	_ =	shalt  }
0x68: {  	_ =	shalt  }
0x69: {  	_ =	shalt  }
0x6a: {  	_ =	shalt  }
0x6b: {  	_ =	shalt  }
0x6c: {  	_ =	shalt  }
0x6d: {  	_ =	shalt  }
0x6e: {  	_ =	shalt  }
0x6f: {  	_ =	shalt  }
0x70: {  	_ =	shalt  }
0x71: {  	_ =	shalt  }
0x72: {  	_ =	shalt  }
0x73: {  	_ =	shalt  }
0x74: {  	_ =	shalt  }
0x75: {  	_ =	shalt  }
0x76: {  	_ =	shalt  }
0x77: {  	_ =	shalt  }
0x78: {  	_ =	shalt  }
0x79: {  	_ =	shalt  }
0x7a: {  	_ =	shalt  }
0x7b: {  	_ =	shalt  }
0x7c: {  	_ =	shalt  }
0x7d: {  	_ =	shalt  }
0x7e: {  	_ =	shalt  }
0x7f: {  	_ =	shalt  }
0x80: {  	_ =	shalt  }
0x81: {  	_ =	shalt  }
0x82: {  	_ =	shalt  }
0x83: {  	_ =	shalt  }
0x84: {  	_ =	shalt  }
0x85: {  	_ =	shalt  }
0x86: {  	_ =	shalt  }
0x87: {  	_ =	shalt  }
.Lfunc_end0:
.L_simem_size_0:
called_computation_lowered:
.L_overlay_start_0:
0x88: {  	s2 =	sld [smem:$0x3FD9]  }
0x89: {  	s3 =	sld [smem:$0x3FFE];
	_ =	sdelay $0x1  }
0x8a: {  	s1 =	srdreg.scid  }
0x8b: {  	s0 =	sand.u32 $0x1, s1  }
0x8c: {  	s17 =	sshll.u32 s0, $0xA;
	s2 =	sadd.s32 s3, s2  }
0x8d: {  	s2 =	sadd.s32 s2, s17  }
0x8e: {  	[smem:$0x3FC7] =	sst s2  }
0x8f: {  	_ = 	snop  }
0x90: {  	s2 =	sld [smem:$0x3FD0];
	(tm) =	ssettm $0x1  }
0x91: {  	s18 =	sld [smem:$0x3FFB];
	_ =	sdelay $0x3  }
0x92: {  	_ =	strace s18  }
0x93: {  	s3 =	sld [smem:$0x3FFC];
	_ =	sdelay $0x3  }
0x94: {  	_ =	strace s3  }
0x95: {  	s3 =	sld [smem:$0x3FFD];
	_ =	sdelay $0x3  }
0x96: {  	_ =	strace s3  }
0x97: {  	_ =	strace $0x8FFFFFFF  }
0x98: {  	s19 =	sld [smem:$0x3FDB];
	_ =	sdelay $0x1  }
0x99: {  	s4 =	simm.s32 $_scs_section_size  }
0x9a: {  	s5 =	simm.s32 $_size__tile_overlayer_lowered;
	s6 =	simm.s32 $_tile_overlayer_lowered  }
0x9b: {  	s22 =	simm.s32 $0x1BFF;
	s21 =	sshll.u32 s6, $0x1;
	s3 =	sadd.s32 s4, s19  }
0x9c: {  	s7 =	simm.s32 $0x0;
	s20 =	sshll.u32 s5, $0x1;
	s5 =	sadd.s32 s21, s3  }
0x9d: {  	[timem:s7], [sflag:s22] =	dma.local [hbm:s5], s20  }
0x9e: {  	_ =	swait.ge [sflag:s22], s20  }
0x9f: {  	s4 =	ssub.s32 $0x0, s20;
	[sflag:s22] =	ssyncset.done $0x0  }
0xa0: {  	[sflag:s22] =	ssyncadd.s32 s4;
	_ =	sdelay $0x1  }
0xa1: {  	s23 =	simm.s32 $0x1B8B  }
0xa2: {  	_ =	swait.ge [sflag:s23], $0x1  }
0xa3: {  	[sflag:s23] =	ssyncset.done $0x0  }
0xa4: {  	s25 =	simm.s32 $0x1B8E;
	s24 =	sld [smem:$0x3FFE];
	[sflag:s23] =	ssyncadd.s32 $0xFFFFFFFF  }
0xa5: {  	s26 =	simm.s32 $execute0_lowered;
	[smem:$0x3FD2] =	sst s25  }
0xa6: {  	s5 =	sshll.u32 s26, $0x1;
	_ =	strace $0x80000046;
	[dreg:$0x1] =	wrdreg $0xFFFFFFFF  }
0xa7: {  	s28 =	simm.s32 $_size_execute0_lowered;
	s3 =	sadd.s32 s3, s5;
	[dreg:$0x0] =	wrdreg $0x0  }
0xa8: {  	s5 =	sshll.u32 s28, $0x1;
	[dreg:$0x2] =	wrdreg s3  }
0xa9: {  	[dreg:$0x3] =	wrdreg s5  }
0xaa: {  	[dreg:$0x4] =	wrdreg $0xC0  }
0xab: {  	_ =	task [dreg:s7], $0x5FFFF  }
0xac: {  	[dreg:$0x1] =	wrdreg $0xFFFFFFFF  }
0xad: {  	[dreg:$0x0] =	wrdreg $0x60  }
0xae: {  	[dreg:$0x2] =	wrdreg s24  }
0xaf: {  	[dreg:$0x3] =	wrdreg s2  }
0xb0: {  	[dreg:$0x4] =	wrdreg $0x9  }
0xb1: {  	_ =	task.clear_ibuf [dreg:s7], $0x5FFFF;
	_ =	strace $0x90000046  }
0xb2: {  	s29 =	simm.s32 $0x9;
	_ =	strace $0x80000048  }
0xb3: {  	_ =	swait.ge [sflag:s29], $0x1  }
0xb4: {  	[sflag:s29] =	ssyncadd.s32 $0xFFFFFFFF  }
0xb5: {  	_ =	strace $0x90000048  }
0xb6: {  	_ =	sfence  }
0xb7: {  	s30 =	sld [smem:$0x0];
	_ =	sdelay $0x2  }
0xb8: {  	s31 =	sshll.u32 s1, $0xD;
	s1 =	sshrl.u32 s1, $0x2  }
0xb9: {  	s3 =	sand.u32 $0x4000, s31;
	s1 =	sadd.s32 s1, s30  }
0xba: {  	s0 =	sor.u32 s3, s0;
	s1 =	sshll.u32 s1, $0x11  }
0xbb: {  	s0 =	sor.u32 s1, s0  }
0xbc: {  	s0 =	sadd.s32 $0x8F2B, s0  }
0xbd: {  	[sflag:s0] =	ssyncadd.remote.s32 $0x1  }
0xbe: {  	_ =	sfence.sel $0xFFFF  }
0xbf: {  	[dreg:$0x0] =	wrdreg $0xFFFFFFFF;
	(pc) =	sbr.abs _section_cstart, $3  }
0xc0: {  	[dreg:$0x1] =	wrdreg $0xFFFFFFFF  }
0xc1: {  	_ =	task.clear_ibuf [dreg:s7], $0x2FFFF;
	_ =	strace $0x9FFFFFFF  }
0xc2: {  	(tm) =	ssettm $0x7FFFFFFF  }
0xc3: {  	_ =	shalt  }
tec
execute0_lowered:
.L_overlay_start_1:
0x0: {  	(tag) =	ssettag $0x1  }
0x1: {  	s1 =	srdreg.scid;
	s3 =	rddreg [dreg:$0x0]  }
0x2: {  	s0 =	stileid.u32;
	s5 =	rddreg [dreg:$0x1]  }
0x3: {  	s2 =	simm.s32 $0x0;
	s9 =	simm.s32 $0x3;
	s10 =	simm.s32 $0x200  }
0x4: {  	s11 =	simm.s32 $0x1000;
	s12 =	simm.s32 $0x20000;
	s13 =	simm.s32 $0x8200  }
0x5: {  	s14 =	simm.s32 $0x1;
	s15 =	simm.s32 $0x2;
	s16 =	simm.s32 $0x0  }
0x6: {  	s4 =	sand.u32 $0x1, s1;
	s6 =	sshll.u32 s0, $0xA;
	s1 =	rddreg [dreg:$0x2]  }
0x7: {  	[smem:$0x7FF] =	sst s2;
	s7 =	sshll.u32 s4, $0x9;
	s4 =	ssub.s32 $0x2, s4  }
0x8: {  	_ =	strace $0x80000047;
	s6 =	sor.u32 s7, s6;
	s31 =	sshrl.u32 s4, $0x1  }
0x9: {  	s7 =	sshrl.u32 s6, $0x3;
	s8 =	ssub.s32 s4, s31;
	s4 =	sadd.s32 s5, s6  }
0xa: {  	s3 =	sadd.s32 s7, s3;
	s5 =	sadd.s32 $0x20000, s4;
	s6 =	sadd.s32 $0x13C0000, s4  }
0xb: {  	v0 =	vimm.f32 $0.0e+00;
	v1 =	vlaneseq.u32;
	v2 =	vimm.f32 $1.000000000e+00;
	s7 =	sadd.s32 $0x13E0000, s4;
	s8 =	smax.u32 s8, $0x1;
	s3 =	sadd.s32 $0x600, s3  }
.LBB2_1:
0xc: {  	[tilespmem:s2], [sflag:$0x3] =	stream.linear.gather [hbm4b:s3+s2], $0x200, $0x38;
	[tilespmem:$0x10200] =	vst v63  }
0xd: {  	_ =	swait.ge [sflag:s9], $0x200  }
0xe: {  	s17 =	sand.u32 $0x70, s2;
	s18 =	sand.u32 $0xC00, s2;
	[sflag:s9] =	ssyncset.done $0x0  }
0xf: {  	s17 =	sor.u32 s17, s18;
	[sflag:s9] =	ssyncadd.s32 $0xFFFFFE00  }
0x10: {  	[tilespmem:s17+$0x8300] =	vst v0  }
0x11: {  	[tilespmem:s17+$0x300] =	vst v0  }
0x12: {  	[tilespmem:s17+$0x280] =	vst v0  }
0x13: {  	s29 =	sand.u32 $0xFFFFFC00, s2;
	[tilespmem:s17+$0x8200] =	vst v0  }
0x14: {  	s18 =	sadd.s32 $0x0, s29;
	[tilespmem:s17+$0x200] =	vst v0  }
0x15: {  	s19 =	sor.u32 $0x180, s18;
	[tilespmem:s17+$0x8280] =	vst v0  }
0x16: {  	[tilespmem:s19+$0x200] =	vst v0  }
0x17: {  	[tilespmem:s19+$0x8200] =	vst v0  }
0x18: {  	[tilespmem:s17+$0x8500] =	vst v0  }
0x19: {  	[tilespmem:s17+$0x500] =	vst v0  }
0x1a: {  	[tilespmem:s17+$0x8400] =	vst v0  }
0x1b: {  	[tilespmem:s17+$0x480] =	vst v0  }
0x1c: {  	s19 =	sor.u32 s2, s2;
	[tilespmem:s17+$0x8480] =	vst v0  }
0x1d: {  	[tilespmem:s17+$0x400] =	vst v0;
	s20 =	sor.u32 $0x380, s19  }
0x1e: {  	[tilespmem:s20+$0x200] =	vst v0  }
0x1f: {  	[tilespmem:s20+$0x8200] =	vst v0  }
0x20: {  	[tilespmem:s17+$0x9300] =	vst v0  }
0x21: {  	[tilespmem:s17+$0x1300] =	vst v0  }
0x22: {  	[tilespmem:s17+$0x9200] =	vst v0  }
0x23: {  	[tilespmem:s17+$0x9280] =	vst v0  }
0x24: {  	[tilespmem:s17+$0x1280] =	vst v0  }
0x25: {  	s30 =	sor.u32 $0x1180, s18;
	[tilespmem:s17+$0x1200] =	vst v0  }
0x26: {  	[tilespmem:s30+$0x200] =	vst v0  }
0x27: {  	[tilespmem:s30+$0x8200] =	vst v0  }
0x28: {  	[tilespmem:s17+$0x9500] =	vst v0  }
0x29: {  	[tilespmem:s17+$0x1480] =	vst v0  }
0x2a: {  	[tilespmem:s17+$0x9400] =	vst v0  }
0x2b: {  	[tilespmem:s17+$0x1500] =	vst v0  }
0x2c: {  	[tilespmem:s17+$0x9480] =	vst v0  }
0x2d: {  	s31 =	sor.u32 $0x1380, s19;
	[tilespmem:s17+$0x1400] =	vst v0  }
0x2e: {  	[tilespmem:s31+$0x200] =	vst v0  }
0x2f: {  	[tilespmem:s31+$0x8200] =	vst v0  }
0x30: {  	[tilespmem:s17+$0xA300] =	vst v0  }
0x31: {  	[tilespmem:s17+$0xA280] =	vst v0  }
0x32: {  	[tilespmem:s17+$0xA200] =	vst v0  }
0x33: {  	[tilespmem:s17+$0x2300] =	vst v0  }
0x34: {  	[tilespmem:s17+$0x2280] =	vst v0  }
0x35: {  	s21 =	sor.u32 $0x2180, s18;
	[tilespmem:s17+$0x2200] =	vst v0  }
0x36: {  	[tilespmem:s21+$0x200] =	vst v0  }
0x37: {  	[tilespmem:s21+$0x8200] =	vst v0  }
0x38: {  	[tilespmem:s17+$0xA500] =	vst v0  }
0x39: {  	[tilespmem:s17+$0xA480] =	vst v0  }
0x3a: {  	[tilespmem:s17+$0xA400] =	vst v0  }
0x3b: {  	[tilespmem:s17+$0x2500] =	vst v0  }
0x3c: {  	[tilespmem:s17+$0x2480] =	vst v0  }
0x3d: {  	s22 =	sor.u32 $0x2380, s19;
	[tilespmem:s17+$0x2400] =	vst v0  }
0x3e: {  	[tilespmem:s22+$0x200] =	vst v0  }
0x3f: {  	[tilespmem:s22+$0x8200] =	vst v0  }
0x40: {  	[tilespmem:s17+$0xB300] =	vst v0  }
0x41: {  	[tilespmem:s17+$0x3300] =	vst v0  }
0x42: {  	[tilespmem:s17+$0xB200] =	vst v0  }
0x43: {  	[tilespmem:s17+$0xB280] =	vst v0  }
0x44: {  	[tilespmem:s17+$0x3280] =	vst v0  }
0x45: {  	s23 =	sor.u32 $0x3180, s18;
	[tilespmem:s17+$0x3200] =	vst v0  }
0x46: {  	[tilespmem:s23+$0x200] =	vst v0  }
0x47: {  	[tilespmem:s23+$0x8200] =	vst v0  }
0x48: {  	[tilespmem:s17+$0xB500] =	vst v0  }
0x49: {  	[tilespmem:s17+$0x3500] =	vst v0  }
0x4a: {  	[tilespmem:s17+$0xB400] =	vst v0  }
0x4b: {  	[tilespmem:s17+$0x3480] =	vst v0  }
0x4c: {  	[tilespmem:s17+$0xB480] =	vst v0  }
0x4d: {  	s24 =	sor.u32 $0x3380, s19;
	[tilespmem:s17+$0x3400] =	vst v0  }
0x4e: {  	[tilespmem:s24+$0x200] =	vst v0  }
0x4f: {  	[tilespmem:s24+$0x8200] =	vst v0  }
0x50: {  	[tilespmem:s17+$0x4300] =	vst v0  }
0x51: {  	[tilespmem:s17+$0xC300] =	vst v0  }
0x52: {  	[tilespmem:s17+$0xC200] =	vst v0  }
0x53: {  	[tilespmem:s17+$0x4280] =	vst v0  }
0x54: {  	[tilespmem:s17+$0xC280] =	vst v0  }
0x55: {  	s25 =	sor.u32 $0x4180, s18;
	[tilespmem:s17+$0x4200] =	vst v0  }
0x56: {  	[tilespmem:s25+$0x200] =	vst v0  }
0x57: {  	[tilespmem:s25+$0x8200] =	vst v0  }
0x58: {  	[tilespmem:s17+$0xC500] =	vst v0  }
0x59: {  	[tilespmem:s17+$0x4480] =	vst v0  }
0x5a: {  	[tilespmem:s17+$0xC400] =	vst v0  }
0x5b: {  	[tilespmem:s17+$0x4500] =	vst v0  }
0x5c: {  	[tilespmem:s17+$0xC480] =	vst v0  }
0x5d: {  	s26 =	sor.u32 $0x4380, s19;
	[tilespmem:s17+$0x4400] =	vst v0  }
0x5e: {  	[tilespmem:s26+$0x200] =	vst v0  }
0x5f: {  	[tilespmem:s26+$0x8200] =	vst v0  }
0x60: {  	[tilespmem:s17+$0xD300] =	vst v0  }
0x61: {  	[tilespmem:s17+$0x5300] =	vst v0  }
0x62: {  	[tilespmem:s17+$0xD200] =	vst v0  }
0x63: {  	[tilespmem:s17+$0xD280] =	vst v0  }
0x64: {  	[tilespmem:s17+$0x5280] =	vst v0  }
0x65: {  	s28 =	sor.u32 $0x5180, s18;
	[tilespmem:s17+$0x5200] =	vst v0  }
0x66: {  	[tilespmem:s28+$0x200] =	vst v0  }
0x67: {  	[tilespmem:s28+$0x8200] =	vst v0  }
0x68: {  	[tilespmem:s17+$0xD500] =	vst v0  }
0x69: {  	[tilespmem:s17+$0x5500] =	vst v0  }
0x6a: {  	[tilespmem:s17+$0xD400] =	vst v0  }
0x6b: {  	[tilespmem:s17+$0x5480] =	vst v0  }
0x6c: {  	[tilespmem:s17+$0xD480] =	vst v0  }
0x6d: {  	s29 =	sor.u32 $0x5380, s19;
	[tilespmem:s17+$0x5400] =	vst v0  }
0x6e: {  	[tilespmem:s29+$0x200] =	vst v0  }
0x6f: {  	[tilespmem:s29+$0x8200] =	vst v0  }
0x70: {  	[tilespmem:s17+$0x6300] =	vst v0  }
0x71: {  	[tilespmem:s17+$0xE300] =	vst v0  }
0x72: {  	[tilespmem:s17+$0xE200] =	vst v0  }
0x73: {  	[tilespmem:s17+$0x6280] =	vst v0  }
0x74: {  	[tilespmem:s17+$0xE280] =	vst v0  }
0x75: {  	s30 =	sor.u32 $0x6180, s18;
	[tilespmem:s17+$0x6200] =	vst v0  }
0x76: {  	[tilespmem:s30+$0x200] =	vst v0  }
0x77: {  	[tilespmem:s30+$0x8200] =	vst v0  }
0x78: {  	[tilespmem:s17+$0xE500] =	vst v0  }
0x79: {  	[tilespmem:s17+$0x6480] =	vst v0  }
0x7a: {  	[tilespmem:s17+$0xE400] =	vst v0  }
0x7b: {  	[tilespmem:s17+$0x6500] =	vst v0  }
0x7c: {  	[tilespmem:s17+$0xE480] =	vst v0  }
0x7d: {  	s31 =	sor.u32 $0x6380, s19;
	[tilespmem:s17+$0x6400] =	vst v0  }
0x7e: {  	[tilespmem:s31+$0x200] =	vst v0  }
0x7f: {  	[tilespmem:s31+$0x8200] =	vst v0  }
0x80: {  	[tilespmem:s17+$0xF300] =	vst v0  }
0x81: {  	[tilespmem:s17+$0x7300] =	vst v0  }
0x82: {  	[tilespmem:s17+$0xF200] =	vst v0  }
0x83: {  	[tilespmem:s17+$0xF280] =	vst v0  }
0x84: {  	[tilespmem:s17+$0x7280] =	vst v0  }
0x85: {  	s18 =	sor.u32 $0x7180, s18;
	[tilespmem:s17+$0x7200] =	vst v0  }
0x86: {  	[tilespmem:s18+$0x200] =	vst v0  }
0x87: {  	[tilespmem:s18+$0x8200] =	vst v0  }
0x88: {  	[tilespmem:s17+$0xF500] =	vst v0  }
0x89: {  	[tilespmem:s17+$0xF480] =	vst v0  }
0x8a: {  	[tilespmem:s17+$0x7480] =	vst v0  }
0x8b: {  	[tilespmem:s17+$0xF400] =	vst v0  }
0x8c: {  	[tilespmem:s17+$0x7400] =	vst v0  }
0x8d: {  	s20 =	sor.u32 $0x7380, s19;
	s21 =	simm.s32 $0x10;
	[tilespmem:s17+$0x7500] =	vst v0;
	s17 =	simm.s32 $0x80  }
.LBB2_2:
0x8e: {  	s19 =	sand.u32 $0x70, s21  }
0x8f: {  	s22 =	sand.u32 $0xC00, s17;
	[tilespmem:s20+$0x200] =	vst v0;
	s23 =	smov.u32 s21;
	s18 =	sadd.s32 $0x10, s21  }
0x90: {  	p0 =	sne.s32 s21, $0x1F0;
	s19 =	sor.u32 s19, s22;
	[tilespmem:s20+$0x8200] =	vst v0  }
0x91: {  	[tilespmem:s19+$0x8300] =	vst v0  }
0x92: {  	[tilespmem:s19+$0x300] =	vst v0  }
0x93: {  	[tilespmem:s19+$0x280] =	vst v0  }
0x94: {  	s20 =	sand.u32 $0xFFFFFC00, s17;
	[tilespmem:s19+$0x8200] =	vst v0  }
0x95: {  	s20 =	sadd.s32 s20, s23;
	[tilespmem:s19+$0x200] =	vst v0  }
0x96: {  	s21 =	sor.u32 $0x180, s20;
	[tilespmem:s19+$0x8280] =	vst v0  }
0x97: {  	[tilespmem:s21+$0x200] =	vst v0  }
0x98: {  	[tilespmem:s21+$0x8200] =	vst v0  }
0x99: {  	[tilespmem:s19+$0x8500] =	vst v0  }
0x9a: {  	[tilespmem:s19+$0x500] =	vst v0  }
0x9b: {  	[tilespmem:s19+$0x8400] =	vst v0  }
0x9c: {  	[tilespmem:s19+$0x480] =	vst v0  }
0x9d: {  	s21 =	sor.u32 s23, s17;
	[tilespmem:s19+$0x8480] =	vst v0  }
0x9e: {  	s22 =	sor.u32 $0x380, s21;
	[tilespmem:s19+$0x400] =	vst v0  }
0x9f: {  	[tilespmem:s22+$0x200] =	vst v0  }
0xa0: {  	[tilespmem:s22+$0x8200] =	vst v0  }
0xa1: {  	[tilespmem:s19+$0x9300] =	vst v0  }
0xa2: {  	[tilespmem:s19+$0x1300] =	vst v0  }
0xa3: {  	[tilespmem:s19+$0x9200] =	vst v0  }
0xa4: {  	[tilespmem:s19+$0x9280] =	vst v0  }
0xa5: {  	[tilespmem:s19+$0x1280] =	vst v0  }
0xa6: {  	s22 =	sor.u32 $0x1180, s20;
	[tilespmem:s19+$0x1200] =	vst v0  }
0xa7: {  	[tilespmem:s22+$0x200] =	vst v0  }
0xa8: {  	[tilespmem:s22+$0x8200] =	vst v0  }
0xa9: {  	[tilespmem:s19+$0x9500] =	vst v0  }
0xaa: {  	[tilespmem:s19+$0x1480] =	vst v0  }
0xab: {  	[tilespmem:s19+$0x9400] =	vst v0  }
0xac: {  	[tilespmem:s19+$0x1500] =	vst v0  }
0xad: {  	[tilespmem:s19+$0x9480] =	vst v0  }
0xae: {  	s22 =	sor.u32 $0x1380, s21;
	[tilespmem:s19+$0x1400] =	vst v0  }
0xaf: {  	[tilespmem:s22+$0x200] =	vst v0  }
0xb0: {  	[tilespmem:s22+$0x8200] =	vst v0  }
0xb1: {  	[tilespmem:s19+$0xA300] =	vst v0  }
0xb2: {  	[tilespmem:s19+$0xA280] =	vst v0  }
0xb3: {  	[tilespmem:s19+$0xA200] =	vst v0  }
0xb4: {  	[tilespmem:s19+$0x2300] =	vst v0  }
0xb5: {  	[tilespmem:s19+$0x2280] =	vst v0  }
0xb6: {  	s22 =	sor.u32 $0x2180, s20;
	[tilespmem:s19+$0x2200] =	vst v0  }
0xb7: {  	[tilespmem:s22+$0x200] =	vst v0  }
0xb8: {  	[tilespmem:s22+$0x8200] =	vst v0  }
0xb9: {  	[tilespmem:s19+$0xA500] =	vst v0  }
0xba: {  	[tilespmem:s19+$0xA480] =	vst v0  }
0xbb: {  	[tilespmem:s19+$0xA400] =	vst v0  }
0xbc: {  	[tilespmem:s19+$0x2500] =	vst v0  }
0xbd: {  	[tilespmem:s19+$0x2480] =	vst v0  }
0xbe: {  	s22 =	sor.u32 $0x2380, s21;
	[tilespmem:s19+$0x2400] =	vst v0  }
0xbf: {  	[tilespmem:s22+$0x200] =	vst v0  }
0xc0: {  	[tilespmem:s22+$0x8200] =	vst v0  }
0xc1: {  	[tilespmem:s19+$0xB300] =	vst v0  }
0xc2: {  	[tilespmem:s19+$0x3300] =	vst v0  }
0xc3: {  	[tilespmem:s19+$0xB200] =	vst v0  }
0xc4: {  	[tilespmem:s19+$0xB280] =	vst v0  }
0xc5: {  	[tilespmem:s19+$0x3280] =	vst v0  }
0xc6: {  	s22 =	sor.u32 $0x3180, s20;
	[tilespmem:s19+$0x3200] =	vst v0  }
0xc7: {  	[tilespmem:s22+$0x200] =	vst v0  }
0xc8: {  	[tilespmem:s22+$0x8200] =	vst v0  }
0xc9: {  	[tilespmem:s19+$0xB500] =	vst v0  }
0xca: {  	[tilespmem:s19+$0x3500] =	vst v0  }
0xcb: {  	[tilespmem:s19+$0xB400] =	vst v0  }
0xcc: {  	[tilespmem:s19+$0x3480] =	vst v0  }
0xcd: {  	[tilespmem:s19+$0xB480] =	vst v0  }
0xce: {  	s22 =	sor.u32 $0x3380, s21;
	[tilespmem:s19+$0x3400] =	vst v0  }
0xcf: {  	[tilespmem:s22+$0x200] =	vst v0  }
0xd0: {  	[tilespmem:s22+$0x8200] =	vst v0  }
0xd1: {  	[tilespmem:s19+$0x4300] =	vst v0  }
0xd2: {  	[tilespmem:s19+$0xC300] =	vst v0  }
0xd3: {  	[tilespmem:s19+$0xC200] =	vst v0  }
0xd4: {  	[tilespmem:s19+$0x4280] =	vst v0  }
0xd5: {  	[tilespmem:s19+$0xC280] =	vst v0  }
0xd6: {  	s22 =	sor.u32 $0x4180, s20;
	[tilespmem:s19+$0x4200] =	vst v0  }
0xd7: {  	[tilespmem:s22+$0x200] =	vst v0  }
0xd8: {  	[tilespmem:s22+$0x8200] =	vst v0  }
0xd9: {  	[tilespmem:s19+$0xC500] =	vst v0  }
0xda: {  	[tilespmem:s19+$0x4480] =	vst v0  }
0xdb: {  	[tilespmem:s19+$0xC400] =	vst v0  }
0xdc: {  	[tilespmem:s19+$0x4500] =	vst v0  }
0xdd: {  	[tilespmem:s19+$0xC480] =	vst v0  }
0xde: {  	s22 =	sor.u32 $0x4380, s21;
	[tilespmem:s19+$0x4400] =	vst v0  }
0xdf: {  	[tilespmem:s22+$0x200] =	vst v0  }
0xe0: {  	[tilespmem:s22+$0x8200] =	vst v0  }
0xe1: {  	[tilespmem:s19+$0xD300] =	vst v0  }
0xe2: {  	[tilespmem:s19+$0x5300] =	vst v0  }
0xe3: {  	[tilespmem:s19+$0xD200] =	vst v0  }
0xe4: {  	[tilespmem:s19+$0xD280] =	vst v0  }
0xe5: {  	[tilespmem:s19+$0x5280] =	vst v0  }
0xe6: {  	s22 =	sor.u32 $0x5180, s20;
	[tilespmem:s19+$0x5200] =	vst v0  }
0xe7: {  	[tilespmem:s22+$0x200] =	vst v0  }
0xe8: {  	[tilespmem:s22+$0x8200] =	vst v0  }
0xe9: {  	[tilespmem:s19+$0xD500] =	vst v0  }
0xea: {  	[tilespmem:s19+$0x5500] =	vst v0  }
0xeb: {  	[tilespmem:s19+$0xD400] =	vst v0  }
0xec: {  	[tilespmem:s19+$0x5480] =	vst v0  }
0xed: {  	[tilespmem:s19+$0xD480] =	vst v0  }
0xee: {  	s22 =	sor.u32 $0x5380, s21;
	[tilespmem:s19+$0x5400] =	vst v0  }
0xef: {  	[tilespmem:s22+$0x200] =	vst v0  }
0xf0: {  	[tilespmem:s22+$0x8200] =	vst v0  }
0xf1: {  	[tilespmem:s19+$0x6300] =	vst v0  }
0xf2: {  	[tilespmem:s19+$0xE300] =	vst v0  }
0xf3: {  	[tilespmem:s19+$0xE200] =	vst v0  }
0xf4: {  	[tilespmem:s19+$0x6280] =	vst v0  }
0xf5: {  	[tilespmem:s19+$0xE280] =	vst v0  }
0xf6: {  	s22 =	sor.u32 $0x6180, s20;
	[tilespmem:s19+$0x6200] =	vst v0  }
0xf7: {  	[tilespmem:s22+$0x200] =	vst v0  }
0xf8: {  	[tilespmem:s22+$0x8200] =	vst v0  }
0xf9: {  	[tilespmem:s19+$0xE500] =	vst v0  }
0xfa: {  	[tilespmem:s19+$0x6480] =	vst v0  }
0xfb: {  	[tilespmem:s19+$0xE400] =	vst v0  }
0xfc: {  	[tilespmem:s19+$0x6500] =	vst v0  }
0xfd: {  	[tilespmem:s19+$0xE480] =	vst v0  }
0xfe: {  	s22 =	sor.u32 $0x6380, s21;
	[tilespmem:s19+$0x6400] =	vst v0  }
0xff: {  	[tilespmem:s22+$0x200] =	vst v0  }
0x100: {  	[tilespmem:s22+$0x8200] =	vst v0  }
0x101: {  	[tilespmem:s19+$0xF300] =	vst v0  }
0x102: {  	[tilespmem:s19+$0x7300] =	vst v0  }
0x103: {  	[tilespmem:s19+$0xF200] =	vst v0  }
0x104: {  	[tilespmem:s19+$0xF280] =	vst v0  }
0x105: {  	[tilespmem:s19+$0x7280] =	vst v0  }
0x106: {  	s20 =	sor.u32 $0x7180, s20;
	[tilespmem:s19+$0x7200] =	vst v0  }
0x107: {  	[tilespmem:s20+$0x200] =	vst v0  }
0x108: {  	[tilespmem:s20+$0x8200] =	vst v0  }
0x109: {  	[tilespmem:s19+$0xF500] =	vst v0  }
.Ltmp0:
0x10a: {  	[tilespmem:s19+$0xF480] =	vst v0;
	(pc) =	sbr.rel @p0 .LBB2_2-.Ltmp0, $4  }
0x10b: {  	[tilespmem:s19+$0x7480] =	vst v0  }
0x10c: {  	[tilespmem:s19+$0xF400] =	vst v0  }
0x10d: {  	[tilespmem:s19+$0x7400] =	vst v0  }
0x10e: {  	s17 =	sadd.s32 $0x80, s17;
	s20 =	sor.u32 $0x7380, s21;
	s21 =	smov.u32 s18;
	[tilespmem:s19+$0x7500] =	vst v0  }
0x10f: {  	[tilespmem:s20+$0x200] =	vst v0  }
0x110: {  	[tilespmem:s20+$0x8200] =	vst v0;
	s17 =	simm.s32 $0x0  }
0x111: {  	v4 =	vld [tilespmem:s17+$0x0];
	_ =	sdelay $0x2  }
0x112: {  	v3 =	vmov s17  }
0x113: {  	v3 =	vshll.u32 v3, $0x3  }
0x114: {  	v5 =	vor.u32 s17, v1;
	v3 =	vand.u32 $0xC00, v3;
	v6 =	vadd.s32 $0x80, v4  }
0x115: {  	vm1 =	vgt.s32 v4, $0x0;
	v7 =	vand.u32 $0xFFFFFFC0, v4;
	vm2 =	vgt.s32 v6, $0x0  }
0x116: {  	vm0 =	vlt.u32 v4, $0x40;
	v4 =	vnsel vm1, $0x0, v4;
	v6 =	vnsel vm2, $0x0, v6  }
0x117: {  	vm1 =	veq.s32 v7, $0xFFFFFF80;
	v4 =	vmin.u32 v4, $0x3F;
	v6 =	vmin.u32 v6, $0x3F  }
0x118: {  	v7 =	vshll.u32 v4, $0x9;
	v4 =	vshll.u32 v4, $0x7;
	v8 =	vshll.u32 v6, $0x9  }
0x119: {  	v7 =	vand.u32 $0x7000, v7;
	v4 =	vand.u32 $0x380, v4;
	v6 =	vshll.u32 v6, $0x7  }
0x11a: {  	v7 =	vor.u32 v7, v4;
	v8 =	vand.u32 $0x7000, v8;
	v6 =	vand.u32 $0x380, v6  }
0x11b: {  	s18 =	simm.s32 $0x10;
	v4 =	vand.u32 $0x7F, v5;
	v5 =	vor.u32 v3, v7;
	v6 =	vor.u32 v8, v6  }
.LBB2_4:
0x11c: {  	p0 =	sne.s32 s18, $0x1F0  }
0x11d: {  	v5 =	vor.u32 v4, v5;
	v3 =	vor.u32 v3, v6;
	s17 =	sadd.s32 $0x10, s17;
	s19 =	smov.u32 s18;
	s18 =	sadd.s32 $0x10, s18  }
0x11e: {  	v3 =	vor.u32 v4, v3;
	_ =	sdelay $0x3  }
0x11f: {  	[tilespmem:v5+s10+$0x0] =	vst.idx.msk vm0, v2  }
0x120: {  	[tilespmem:v3+s10+$0x0] =	vst.idx.msk vm1, v0  }
0x121: {  	v4 =	vld [tilespmem:s17+$0x0];
	_ =	sdelay $0x1  }
0x122: {  	v3 =	vmov s19;
	_ =	sdelay $0x1  }
0x123: {  	v5 =	vor.u32 s19, v1;
	v3 =	vshll.u32 v3, $0x3  }
0x124: {  	vm1 =	vgt.s32 v4, $0x0;
	v6 =	vadd.s32 $0x80, v4;
	v7 =	vand.u32 $0xFFFFFFC0, v4  }
0x125: {  	v3 =	vand.u32 $0xC00, v3;
	vm0 =	vlt.u32 v4, $0x40;
	vm2 =	vgt.s32 v6, $0x0  }
0x126: {  	v4 =	vnsel vm1, $0x0, v4;
	vm1 =	veq.s32 v7, $0xFFFFFF80;
	v6 =	vnsel vm2, $0x0, v6  }
.Ltmp1:
0x127: {  	v4 =	vmin.u32 v4, $0x3F;
	v6 =	vmin.u32 v6, $0x3F;
	(pc) =	sbr.rel @p0 .LBB2_4-.Ltmp1, $4  }
0x128: {  	v7 =	vshll.u32 v4, $0x9;
	v4 =	vshll.u32 v4, $0x7;
	v8 =	vshll.u32 v6, $0x9  }
0x129: {  	v7 =	vand.u32 $0x7000, v7;
	v4 =	vand.u32 $0x380, v4;
	v6 =	vshll.u32 v6, $0x7  }
0x12a: {  	v7 =	vor.u32 v7, v4;
	v8 =	vand.u32 $0x7000, v8;
	v6 =	vand.u32 $0x380, v6  }
0x12b: {  	v4 =	vand.u32 $0x7F, v5;
	v5 =	vor.u32 v3, v7;
	v6 =	vor.u32 v8, v6  }
0x12c: {  	v5 =	vor.u32 v4, v5;
	v3 =	vor.u32 v3, v6  }
0x12d: {  	v3 =	vor.u32 v4, v3;
	_ =	sdelay $0x3  }
0x12e: {  	[tilespmem:v5+s10+$0x0] =	vst.idx.msk vm0, v2  }
0x12f: {  	s17 =	simm.s32 $0x0;
	[tilespmem:v3+s10+$0x0] =	vst.idx.msk vm1, v0  }
0x130: {  	[hbm4b:s4+s11] =	stream.strided.scatter [tilespmem:s10], [sflag:$0x1], $0x8000, s12, s11, $0x38;
	[tilespmem:$0x10200] =	vst v63  }
0x131: {  	v4 =	vld [tilespmem:s17+$0x0];
	_ =	sdelay $0x2  }
0x132: {  	v5 =	vmov s17  }
0x133: {  	v3 =	vor.u32 s17, v1;
	v5 =	vshll.u32 v5, $0x3  }
0x134: {  	v6 =	vadd.s32 $0xFFFFFFC0, v4;
	v7 =	vand.u32 $0xFFFFFFC0, v4;
	v8 =	vadd.s32 $0x40, v4  }
0x135: {  	vm0 =	vgt.u32 v4, $0xFFFFFFBF;
	vm1 =	vgt.s32 v6, $0x0;
	vm2 =	vgt.s32 v8, $0x0  }
0x136: {  	v4 =	vand.u32 $0xC00, v5;
	v6 =	vnsel vm1, $0x0, v6;
	v5 =	vnsel vm2, $0x0, v8  }
0x137: {  	vm1 =	veq.s32 v7, $0x40;
	v6 =	vmin.u32 v6, $0x3F;
	v5 =	vmin.u32 v5, $0x3F  }
0x138: {  	v7 =	vshll.u32 v6, $0x9;
	v6 =	vshll.u32 v6, $0x7;
	v8 =	vshll.u32 v5, $0x7  }
0x139: {  	v9 =	vshll.u32 v5, $0x9;
	v7 =	vand.u32 $0x7000, v7;
	v6 =	vand.u32 $0x380, v6  }
0x13a: {  	s18 =	simm.s32 $0x10;
	v5 =	vor.u32 v7, v6;
	v6 =	vand.u32 $0x7000, v9;
	v7 =	vand.u32 $0x380, v8  }
.LBB2_6:
0x13b: {  	p0 =	sne.s32 s18, $0x1F0  }
0x13c: {  	v3 =	vand.u32 $0x7F, v3;
	v5 =	vor.u32 v4, v5;
	v6 =	vor.u32 v6, v7;
	s17 =	sadd.s32 $0x10, s17;
	s19 =	smov.u32 s18;
	s18 =	sadd.s32 $0x10, s18  }
0x13d: {  	v5 =	vor.u32 v3, v5;
	v4 =	vor.u32 v4, v6  }
0x13e: {  	v3 =	vor.u32 v3, v4;
	_ =	sdelay $0x3  }
0x13f: {  	[tilespmem:v5+s13+$0x0] =	vst.idx.msk vm1, v2  }
0x140: {  	[tilespmem:v3+s13+$0x0] =	vst.idx.msk vm0, v0  }
0x141: {  	v4 =	vld [tilespmem:s17+$0x0]  }
0x142: {  	v5 =	vmov s19;
	_ =	sdelay $0x2  }
0x143: {  	v3 =	vor.u32 s19, v1;
	v5 =	vshll.u32 v5, $0x3  }
0x144: {  	v6 =	vadd.s32 $0xFFFFFFC0, v4;
	v7 =	vand.u32 $0xFFFFFFC0, v4;
	v8 =	vadd.s32 $0x40, v4  }
0x145: {  	vm0 =	vgt.u32 v4, $0xFFFFFFBF;
	vm1 =	vgt.s32 v6, $0x0;
	vm2 =	vgt.s32 v8, $0x0  }
.Ltmp2:
0x146: {  	v4 =	vand.u32 $0xC00, v5;
	v6 =	vnsel vm1, $0x0, v6;
	v5 =	vnsel vm2, $0x0, v8;
	(pc) =	sbr.rel @p0 .LBB2_6-.Ltmp2, $4  }
0x147: {  	vm1 =	veq.s32 v7, $0x40;
	v6 =	vmin.u32 v6, $0x3F;
	v5 =	vmin.u32 v5, $0x3F  }
0x148: {  	v7 =	vshll.u32 v6, $0x9;
	v6 =	vshll.u32 v6, $0x7;
	v8 =	vshll.u32 v5, $0x7  }
0x149: {  	v9 =	vshll.u32 v5, $0x9;
	v7 =	vand.u32 $0x7000, v7;
	v6 =	vand.u32 $0x380, v6  }
0x14a: {  	v5 =	vor.u32 v7, v6;
	v6 =	vand.u32 $0x7000, v9;
	v7 =	vand.u32 $0x380, v8  }
0x14b: {  	v3 =	vand.u32 $0x7F, v3;
	v5 =	vor.u32 v4, v5;
	v6 =	vor.u32 v6, v7  }
0x14c: {  	v5 =	vor.u32 v3, v5;
	v63 =	vor.u32 v4, v6  }
0x14d: {  	v3 =	vor.u32 v3, v63;
	_ =	sdelay $0x3  }
0x14e: {  	[tilespmem:v5+s13+$0x0] =	vst.idx.msk vm1, v2  }
0x14f: {  	s17 =	simm.s32 $0x1;
	[tilespmem:v3+s13+$0x0] =	vst.idx.msk vm0, v0  }
0x150: {  	[hbm4b:s5+s11] =	stream.strided.scatter [tilespmem:s13], [sflag:$0x2], $0x8000, s12, s11, $0x38;
	[tilespmem:$0x10200] =	vst v63  }
.LBB2_8:
0x151: {  	_ =	swait.ge [sflag:s14], $0x8000  }
0x152: {  	[sflag:s14] =	ssyncset.done $0x0  }
0x153: {  	s18 =	sshll.u32 s17, $0x7;
	s19 =	simm.s32 $0x0;
	[sflag:s14] =	ssyncadd.s32 $0xFFFF8000  }
0x154: {  	s20 =	sadd.s32 $0xFFFFFF80, s18;
	v5 =	vld [tilespmem:s19+$0x0]  }
0x155: {  	s21 =	simm.s32 $0x0;
	v3 =	vmov s18;
	v4 =	vmov s20;
	s20 =	simm.s32 $0x10  }
.LBB2_9:
0x156: {  	p0 =	sne.s32 s20, $0x1F0;
	_ =	sdelay $0x1  }
0x157: {  	v6 =	vor.u32 s19, v1  }
0x158: {  	v7 =	vmov s19;
	s19 =	smov.u32 s20;
	v8 =	vsub.s32 v5, v3;
	v5 =	vsub.s32 v5, v4  }
0x159: {  	v6 =	vand.u32 $0x7F, v6;
	vm0 =	vgt.s32 v8, $0x0;
	vm1 =	vgt.s32 v5, $0x0  }
0x15a: {  	v7 =	vshll.u32 v7, $0x3;
	v9 =	vnsel vm0, $0x0, v8;
	v10 =	vnsel vm1, $0x0, v5  }
0x15b: {  	v7 =	vand.u32 $0xC00, v7;
	v9 =	vmin.u32 v9, $0x3F;
	v10 =	vmin.u32 v10, $0x3F  }
0x15c: {  	v11 =	vshll.u32 v9, $0x9;
	v9 =	vshll.u32 v9, $0x7;
	v12 =	vshll.u32 v10, $0x9  }
0x15d: {  	v10 =	vshll.u32 v10, $0x7;
	v11 =	vand.u32 $0x7000, v11;
	v9 =	vand.u32 $0x380, v9  }
0x15e: {  	v10 =	vand.u32 $0x380, v10;
	v9 =	vor.u32 v11, v9;
	v11 =	vand.u32 $0x7000, v12  }
0x15f: {  	vm0 =	vlt.u32 v8, $0x40;
	v8 =	vor.u32 v7, v9;
	v9 =	vor.u32 v11, v10  }
0x160: {  	vm1 =	vlt.u32 v5, $0x40;
	v8 =	vor.u32 v6, v8;
	v5 =	vor.u32 v7, v9  }
0x161: {  	v5 =	vor.u32 v6, v5;
	_ =	sdelay $0x2  }
.Ltmp3:
0x162: {  	(pc) =	sbr.rel @p0 .LBB2_9-.Ltmp3, $4  }
0x163: {  	[tilespmem:v8+s10+$0x0] =	vst.idx.msk vm0, v2  }
0x164: {  	s21 =	sadd.s32 $0x10, s21;
	[tilespmem:v5+s10+$0x0] =	vst.idx.msk vm1, v0  }
0x165: {  	v5 =	vld [tilespmem:s21+$0x0]  }
0x166: {  	s20 =	sadd.s32 $0x10, s20  }
0x167: {  	_ =	sdelay $0x1  }
0x168: {  	v6 =	vor.u32 s19, v1  }
0x169: {  	v7 =	vmov s19;
	v3 =	vsub.s32 v5, v3;
	v4 =	vsub.s32 v5, v4  }
0x16a: {  	v7 =	vshll.u32 v7, $0x3;
	vm0 =	vgt.s32 v3, $0x0;
	vm1 =	vgt.s32 v4, $0x0  }
0x16b: {  	v5 =	vand.u32 $0x7F, v6;
	v6 =	vnsel vm0, $0x0, v3;
	v8 =	vnsel vm1, $0x0, v4  }
0x16c: {  	v7 =	vand.u32 $0xC00, v7;
	v6 =	vmin.u32 v6, $0x3F;
	v8 =	vmin.u32 v8, $0x3F  }
0x16d: {  	v9 =	vshll.u32 v6, $0x9;
	v6 =	vshll.u32 v6, $0x7;
	v10 =	vshll.u32 v8, $0x9  }
0x16e: {  	v8 =	vshll.u32 v8, $0x7;
	v9 =	vand.u32 $0x7000, v9;
	v6 =	vand.u32 $0x380, v6  }
0x16f: {  	v63 =	vand.u32 $0x7000, v10;
	v8 =	vand.u32 $0x380, v8;
	v6 =	vor.u32 v9, v6  }
0x170: {  	vm14 =	vlt.u32 v3, $0x40;
	v3 =	vor.u32 v7, v6;
	v6 =	vor.u32 v63, v8  }
0x171: {  	vm15 =	vlt.u32 v4, $0x40;
	v3 =	vor.u32 v5, v3;
	v4 =	vor.u32 v7, v6  }
0x172: {  	v4 =	vor.u32 v5, v4;
	_ =	sdelay $0x3  }
0x173: {  	s31 =	sshll.u32 s17, $0x12;
	[tilespmem:v3+s10+$0x0] =	vst.idx.msk vm14, v2  }
0x174: {  	s19 =	sadd.s32 s31, s4;
	[tilespmem:v4+s10+$0x0] =	vst.idx.msk vm15, v0  }
0x175: {  	[hbm4b:s19+s11] =	stream.strided.scatter [tilespmem:s10], [sflag:$0x1], $0x8000, s12, s11, $0x38;
	[tilespmem:$0x10200] =	vst v63  }
0x176: {  	_ =	swait.ge [sflag:s15], $0x8000  }
0x177: {  	s20 =	sadd.s32 $0xFFFFFFC0, s18;
	[sflag:s15] =	ssyncset.done $0x0  }
0x178: {  	s18 =	sshllo.u32 s17, $0x1;
	s19 =	simm.s32 $0x0;
	[sflag:s15] =	ssyncadd.s32 $0xFFFF8000  }
0x179: {  	s21 =	sshll.u32 s18, $0x6;
	v5 =	vld [tilespmem:s19+$0x0]  }
0x17a: {  	v3 =	vmov s21;
	s21 =	simm.s32 $0x0;
	v4 =	vmov s20;
	s20 =	simm.s32 $0x10  }
.LBB2_11:
0x17b: {  	p0 =	sne.s32 s20, $0x1F0;
	_ =	sdelay $0x1  }
0x17c: {  	v6 =	vor.u32 s19, v1  }
0x17d: {  	v7 =	vmov s19;
	s19 =	smov.u32 s20;
	v8 =	vsub.s32 v5, v3;
	v5 =	vsub.s32 v5, v4  }
0x17e: {  	v6 =	vand.u32 $0x7F, v6;
	vm0 =	vgt.s32 v8, $0x0;
	vm1 =	vgt.s32 v5, $0x0  }
0x17f: {  	v7 =	vshll.u32 v7, $0x3;
	v9 =	vnsel vm0, $0x0, v8;
	v10 =	vnsel vm1, $0x0, v5  }
0x180: {  	v7 =	vand.u32 $0xC00, v7;
	v9 =	vmin.u32 v9, $0x3F;
	v10 =	vmin.u32 v10, $0x3F  }
0x181: {  	v11 =	vshll.u32 v9, $0x9;
	v9 =	vshll.u32 v9, $0x7;
	v12 =	vshll.u32 v10, $0x9  }
0x182: {  	v10 =	vshll.u32 v10, $0x7;
	v11 =	vand.u32 $0x7000, v11;
	v9 =	vand.u32 $0x380, v9  }
0x183: {  	v10 =	vand.u32 $0x380, v10;
	v9 =	vor.u32 v11, v9;
	v11 =	vand.u32 $0x7000, v12  }
0x184: {  	vm0 =	vlt.u32 v8, $0x40;
	v8 =	vor.u32 v7, v9;
	v9 =	vor.u32 v11, v10  }
0x185: {  	vm1 =	vlt.u32 v5, $0x40;
	v8 =	vor.u32 v6, v8;
	v5 =	vor.u32 v7, v9  }
0x186: {  	v5 =	vor.u32 v6, v5;
	_ =	sdelay $0x2  }
.Ltmp4:
0x187: {  	(pc) =	sbr.rel @p0 .LBB2_11-.Ltmp4, $4  }
0x188: {  	[tilespmem:v8+s13+$0x0] =	vst.idx.msk vm0, v2  }
0x189: {  	s21 =	sadd.s32 $0x10, s21;
	[tilespmem:v5+s13+$0x0] =	vst.idx.msk vm1, v0  }
0x18a: {  	v5 =	vld [tilespmem:s21+$0x0]  }
0x18b: {  	s20 =	sadd.s32 $0x10, s20  }
0x18c: {  	_ =	sdelay $0x1  }
0x18d: {  	v6 =	vor.u32 s19, v1  }
0x18e: {  	v7 =	vmov s19;
	v3 =	vsub.s32 v5, v3;
	v4 =	vsub.s32 v5, v4  }
0x18f: {  	v59 =	vand.u32 $0x7F, v6;
	vm0 =	vgt.s32 v3, $0x0;
	vm1 =	vgt.s32 v4, $0x0  }
0x190: {  	v7 =	vshll.u32 v7, $0x3;
	v60 =	vnsel vm0, $0x0, v3;
	v8 =	vnsel vm1, $0x0, v4  }
0x191: {  	v7 =	vand.u32 $0xC00, v7;
	v6 =	vmin.u32 v60, $0x3F;
	v8 =	vmin.u32 v8, $0x3F  }
0x192: {  	v9 =	vshll.u32 v6, $0x9;
	v6 =	vshll.u32 v6, $0x7;
	v10 =	vshll.u32 v8, $0x9  }
0x193: {  	v8 =	vshll.u32 v8, $0x7;
	v9 =	vand.u32 $0x7000, v9;
	v6 =	vand.u32 $0x380, v6  }
0x194: {  	v61 =	vand.u32 $0x7000, v10;
	v8 =	vand.u32 $0x380, v8;
	v6 =	vor.u32 v9, v6  }
0x195: {  	vm14 =	vlt.u32 v3, $0x40;
	v62 =	vor.u32 v61, v8;
	v3 =	vor.u32 v7, v6  }
0x196: {  	vm15 =	vlt.u32 v4, $0x40;
	v63 =	vor.u32 v7, v62;
	v3 =	vor.u32 v59, v3  }
0x197: {  	s17 =	sadd.s32 $0x1, s17;
	v4 =	vor.u32 v59, v63  }
0x198: {  	p0 =	sne.s32 s17, $0x4F  }
.Ltmp5:
0x199: {  	_ = 	snop;
	(pc) =	sbr.rel @p0 .LBB2_8-.Ltmp5, $4  }
0x19a: {  	_ = 	snop  }
0x19b: {  	s18 =	sshll.u32 s18, $0x11;
	[tilespmem:v3+s13+$0x0] =	vst.idx.msk vm14, v2  }
0x19c: {  	s18 =	sadd.s32 s18, s4;
	[tilespmem:v4+s13+$0x0] =	vst.idx.msk vm15, v0  }
0x19d: {  	[hbm4b:s18+s11] =	stream.strided.scatter [tilespmem:s13], [sflag:$0x2], $0x8000, s12, s11, $0x38;
	[tilespmem:$0x10200] =	vst v63  }
0x19e: {  	_ =	swait.ge [sflag:s14], $0x8000  }
0x19f: {  	[sflag:s14] =	ssyncset.done $0x0  }
0x1a0: {  	s17 =	simm.s32 $0x0;
	[sflag:s14] =	ssyncadd.s32 $0xFFFF8000  }
0x1a1: {  	v3 =	vld [tilespmem:s17+$0x0];
	_ =	sdelay $0x2  }
0x1a2: {  	v4 =	vmov s17  }
0x1a3: {  	v5 =	vor.u32 s17, v1;
	v6 =	vshll.u32 v4, $0x3  }
0x1a4: {  	v7 =	vadd.s32 $0xFFFFD880, v3;
	v4 =	vand.u32 $0xFFFFFFC0, v3;
	v8 =	vadd.s32 $0xFFFFD900, v3  }
0x1a5: {  	v3 =	vand.u32 $0x7F, v5;
	vm0 =	vgt.s32 v7, $0x0;
	vm1 =	vgt.s32 v8, $0x0  }
0x1a6: {  	v5 =	vand.u32 $0xC00, v6;
	v7 =	vnsel vm0, $0x0, v7;
	v6 =	vnsel vm1, $0x0, v8  }
0x1a7: {  	vm0 =	veq.s32 v4, $0x2780;
	v7 =	vmin.u32 v7, $0x3F;
	v6 =	vmin.u32 v6, $0x3F  }
0x1a8: {  	v8 =	vshll.u32 v7, $0x9;
	v7 =	vshll.u32 v7, $0x7;
	v9 =	vshll.u32 v6, $0x7  }
0x1a9: {  	v6 =	vshll.u32 v6, $0x9;
	v8 =	vand.u32 $0x7000, v8;
	v7 =	vand.u32 $0x380, v7  }
0x1aa: {  	s18 =	simm.s32 $0x10;
	v6 =	vand.u32 $0x7000, v6;
	v7 =	vor.u32 v8, v7;
	v8 =	vand.u32 $0x380, v9  }
.LBB2_14:
0x1ab: {  	p0 =	sne.s32 s18, $0x1F0  }
0x1ac: {  	v7 =	vor.u32 v5, v7;
	vm1 =	veq.s32 v4, $0x2700;
	v4 =	vor.u32 v6, v8;
	s17 =	sadd.s32 $0x10, s17;
	s19 =	smov.u32 s18;
	s18 =	sadd.s32 $0x10, s18  }
0x1ad: {  	v6 =	vor.u32 v3, v7;
	v4 =	vor.u32 v5, v4  }
0x1ae: {  	v3 =	vor.u32 v3, v4;
	_ =	sdelay $0x3  }
0x1af: {  	[tilespmem:v6+s10+$0x0] =	vst.idx.msk vm0, v2  }
0x1b0: {  	[tilespmem:v3+s10+$0x0] =	vst.idx.msk vm1, v0  }
0x1b1: {  	v3 =	vld [tilespmem:s17+$0x0]  }
0x1b2: {  	v4 =	vmov s19;
	_ =	sdelay $0x2  }
0x1b3: {  	v5 =	vor.u32 s19, v1;
	v6 =	vshll.u32 v4, $0x3  }
0x1b4: {  	v7 =	vadd.s32 $0xFFFFD880, v3;
	v4 =	vand.u32 $0xFFFFFFC0, v3;
	v8 =	vadd.s32 $0xFFFFD900, v3  }
0x1b5: {  	v3 =	vand.u32 $0x7F, v5;
	vm0 =	vgt.s32 v7, $0x0;
	vm1 =	vgt.s32 v8, $0x0  }
.Ltmp6:
0x1b6: {  	v5 =	vand.u32 $0xC00, v6;
	v7 =	vnsel vm0, $0x0, v7;
	v6 =	vnsel vm1, $0x0, v8;
	(pc) =	sbr.rel @p0 .LBB2_14-.Ltmp6, $4  }
0x1b7: {  	vm0 =	veq.s32 v4, $0x2780;
	v7 =	vmin.u32 v7, $0x3F;
	v6 =	vmin.u32 v6, $0x3F  }
0x1b8: {  	v8 =	vshll.u32 v7, $0x9;
	v7 =	vshll.u32 v7, $0x7;
	v9 =	vshll.u32 v6, $0x7  }
0x1b9: {  	v6 =	vshll.u32 v6, $0x9;
	v8 =	vand.u32 $0x7000, v8;
	v7 =	vand.u32 $0x380, v7  }
0x1ba: {  	v6 =	vand.u32 $0x7000, v6;
	v7 =	vor.u32 v8, v7;
	v8 =	vand.u32 $0x380, v9  }
0x1bb: {  	v7 =	vor.u32 v5, v7;
	v6 =	vor.u32 v6, v8  }
0x1bc: {  	vm1 =	veq.s32 v4, $0x2700;
	v4 =	vor.u32 v3, v7;
	v5 =	vor.u32 v5, v6  }
0x1bd: {  	v3 =	vor.u32 v3, v5;
	_ =	sdelay $0x3  }
0x1be: {  	[tilespmem:v4+s10+$0x0] =	vst.idx.msk vm0, v2  }
0x1bf: {  	[tilespmem:v3+s10+$0x0] =	vst.idx.msk vm1, v0  }
0x1c0: {  	[hbm4b:s6+s11] =	stream.strided.scatter [tilespmem:s10], [sflag:$0x1], $0x8000, s12, s11, $0x38;
	[tilespmem:$0x10200] =	vst v63  }
0x1c1: {  	_ =	swait.ge [sflag:s15], $0x8000  }
0x1c2: {  	[sflag:s15] =	ssyncset.done $0x0  }
0x1c3: {  	s17 =	simm.s32 $0x0;
	[sflag:s15] =	ssyncadd.s32 $0xFFFF8000  }
0x1c4: {  	v5 =	vld [tilespmem:s17+$0x0];
	_ =	sdelay $0x2  }
0x1c5: {  	v3 =	vmov s17  }
0x1c6: {  	v4 =	vor.u32 s17, v1;
	v6 =	vshll.u32 v3, $0x3  }
0x1c7: {  	v3 =	vand.u32 $0x7F, v4;
	v7 =	vadd.s32 $0xFFFFD840, v5;
	v8 =	vadd.s32 $0xFFFFD8C0, v5  }
0x1c8: {  	v4 =	vand.u32 $0xC00, v6;
	vm14 =	vgt.s32 v7, $0x0;
	vm15 =	vgt.s32 v8, $0x0  }
0x1c9: {  	v6 =	vand.u32 $0xFFFFFFF0, v5;
	v7 =	vnsel vm14, $0x0, v7;
	v8 =	vnsel vm15, $0x0, v8  }
0x1ca: {  	v5 =	vand.u32 $0xFFFFFFC0, v5;
	v10 =	vmin.u32 v7, $0x3F;
	v7 =	vmin.u32 v8, $0x3F  }
0x1cb: {  	s18 =	simm.s32 $0x10;
	v9 =	vshll.u32 v10, $0x9;
	v10 =	vshll.u32 v10, $0x7;
	v8 =	vshll.u32 v7, $0x9  }
.LBB2_16:
0x1cc: {  	p0 =	sne.s32 s18, $0x1F0  }
0x1cd: {  	v9 =	vand.u32 $0x7000, v9;
	v10 =	vand.u32 $0x380, v10;
	v7 =	vshll.u32 v7, $0x7;
	s17 =	sadd.s32 $0x10, s17;
	s19 =	smov.u32 s18;
	s18 =	sadd.s32 $0x10, s18  }
0x1ce: {  	v8 =	vand.u32 $0x7000, v8;
	v9 =	vor.u32 v9, v10;
	v7 =	vand.u32 $0x380, v7  }
0x1cf: {  	vm0 =	veq.s32 v6, $0x27C0;
	v6 =	vor.u32 v4, v9;
	v7 =	vor.u32 v8, v7  }
0x1d0: {  	vm1 =	veq.s32 v5, $0x2740;
	v6 =	vor.u32 v3, v6;
	v4 =	vor.u32 v4, v7  }
0x1d1: {  	v3 =	vor.u32 v3, v4;
	_ =	sdelay $0x3  }
0x1d2: {  	[tilespmem:v6+s13+$0x0] =	vst.idx.msk vm0, v2  }
0x1d3: {  	v4 =	vmov s19;
	[tilespmem:v3+s13+$0x0] =	vst.idx.msk vm1, v0  }
0x1d4: {  	v5 =	vld [tilespmem:s17+$0x0];
	_ =	sdelay $0x1  }
0x1d5: {  	v4 =	vshll.u32 v4, $0x3;
	v3 =	vor.u32 s19, v1;
	_ =	sdelay $0x1  }
0x1d6: {  	v3 =	vand.u32 $0x7F, v3  }
.Ltmp7:
0x1d7: {  	v4 =	vand.u32 $0xC00, v4;
	v7 =	vadd.s32 $0xFFFFD840, v5;
	v8 =	vadd.s32 $0xFFFFD8C0, v5;
	(pc) =	sbr.rel @p0 .LBB2_16-.Ltmp7, $4  }
0x1d8: {  	v6 =	vand.u32 $0xFFFFFFF0, v5;
	vm0 =	vgt.s32 v7, $0x0;
	vm1 =	vgt.s32 v8, $0x0  }
0x1d9: {  	v5 =	vand.u32 $0xFFFFFFC0, v5;
	v7 =	vnsel vm0, $0x0, v7;
	v8 =	vnsel vm1, $0x0, v8  }
0x1da: {  	v10 =	vmin.u32 v7, $0x3F;
	v7 =	vmin.u32 v8, $0x3F  }
0x1db: {  	v9 =	vshll.u32 v10, $0x9;
	v10 =	vshll.u32 v10, $0x7;
	v8 =	vshll.u32 v7, $0x9  }
0x1dc: {  	v9 =	vand.u32 $0x7000, v9;
	v10 =	vand.u32 $0x380, v10;
	v7 =	vshll.u32 v7, $0x7  }
0x1dd: {  	v8 =	vand.u32 $0x7000, v8;
	v9 =	vor.u32 v9, v10;
	v7 =	vand.u32 $0x380, v7  }
0x1de: {  	vm0 =	veq.s32 v6, $0x27C0;
	v62 =	vor.u32 v4, v9;
	v7 =	vor.u32 v8, v7  }
0x1df: {  	vm1 =	veq.s32 v5, $0x2740;
	v6 =	vor.u32 v3, v62;
	v63 =	vor.u32 v4, v7  }
0x1e0: {  	v3 =	vor.u32 v3, v63;
	_ =	sdelay $0x3  }
0x1e1: {  	[tilespmem:v6+s13+$0x0] =	vst.idx.msk vm0, v2  }
0x1e2: {  	s16 =	sadd.s32 $0x1, s16;
	[tilespmem:v3+s13+$0x0] =	vst.idx.msk vm1, v0  }
0x1e3: {  	[hbm4b:s7+s11] =	stream.strided.scatter [tilespmem:s13], [sflag:$0x2], $0x2000, s12, s11, $0x38;
	[tilespmem:$0x10200] =	vst v63  }
0x1e4: {  	p0 =	sne.s32 s16, s8;
	_ =	swait.ge [sflag:s14], $0x8000  }
.Ltmp8:
0x1e5: {  	[sflag:s14] =	ssyncset.done $0x0;
	(pc) =	sbr.rel @p0 .LBB2_1-.Ltmp8, $4  }
0x1e6: {  	[sflag:s14] =	ssyncadd.s32 $0xFFFF8000  }
0x1e7: {  	_ =	swait.ge [sflag:s15], $0x2000  }
0x1e8: {  	[sflag:s15] =	ssyncset.done $0x0  }
0x1e9: {  	[sflag:s15] =	ssyncadd.s32 $0xFFFFE000  }
0x1ea: {  	_ =	sfence.sel $0x180000  }
0x1eb: {  	[bflag:$0x0] =	sbarrier.arrive $0xFFFF  }
0x1ec: {  	p0 =	sne.s32 s0, $0x0;
	_ =	strace $0x90000047  }
0x1ed: {  	s0 =	sadd.s32 @!p0 $0x100000, s1;
	[bflag:$0x2] =	sbarrier.arrive $0xFFFF  }
0x1ee: {  	[sflag:s0] =	ssyncadd.tile.s32 @!p0 $0x1;
	_ =	shalt  }
.Lfunc_end2:
_tile_overlayer_lowered:
.L_overlay_start_2:
0x1ef: {  	(tag) =	ssettag $0x2  }
0x1f0: {  	s0 =	rddreg [dreg:$0x0];
	s2 =	stileid.u32  }
0x1f1: {  	s1 =	rddreg [dreg:$0x1];
	p0 =	sne.s32 s2, $0x0  }
0x1f2: {  	s3 =	rddreg [dreg:$0x2];
	[bflag:$0x3] =	sbarrier.arrive $0xFFFF;
	s2 =	simm.s32 @!p0 $0x1C03  }
0x1f3: {  	[timem:s3], [sflag:s2] =	dma.local @!p0 [hbm:s0], s1  }
0x1f4: {  	s0 =	simm.s32 @!p0 $0x3  }
0x1f5: {  	_ =	swait.ge @!p0 [sflag:s0], s1  }
0x1f6: {  	s1 =	ssub.s32 @!p0 $0x0, s1;
	[sflag:s0] =	ssyncset.done @!p0 $0x0  }
0x1f7: {  	[sflag:s0] =	ssyncadd.s32 @!p0 s1  }
0x1f8: {  	[bflag:$0x3] =	sbarrier.arrive $0xFFFF  }
0x1f9: {  	_ =	shalt  }

</sc_bundles>
